<compile_context>
chip_gen: v7x
topology: tpu7x:2x2x1
jax: 0.10.2.dev20260603
libtpu: 0.0.44.dev20260713+nightly
codegen_flags: <defaults>
</compile_context>

<pallas_src>
import functools

import jax
import jax.numpy as jnp
from jax import lax
from jax.experimental import pallas as pl
from jax.experimental.pallas import tpu as pltpu
from jax.experimental.pallas import tpu_sc as plsc

N = 4096
E = 2048
D = 512
K = N // 2

_F32 = jnp.float32

_BI = 256
_CH = 128


def _rank_body(s_bc_ref, s_row_ref, rank_ref):
    i = pl.program_id(0)
    si = s_row_ref[0:1, :]
    ii = jax.lax.broadcasted_iota(jnp.int32, (1, _BI), 1) + i * _BI

    def _accum(cnt, acc):
        size = _CH
        while size > 8:
            half = size // 2
            cnt = cnt[:half, :] + cnt[half:size, :]
            size = half
        return acc + cnt

    def lower(c, acc):
        sj = s_bc_ref[pl.ds(c * _CH, _CH), :]
        return _accum(jnp.where(sj >= si, 1.0, 0.0), acc)

    def upper(c, acc):
        sj = s_bc_ref[pl.ds(c * _CH, _CH), :]
        return _accum(jnp.where(sj > si, 1.0, 0.0), acc)

    def mixed(c, acc):
        sj = s_bc_ref[pl.ds(c * _CH, _CH), :]
        jj2 = (jax.lax.broadcasted_iota(jnp.int32, (_CH, _BI), 0)
               + c * _CH)
        ii2 = (jax.lax.broadcasted_iota(jnp.int32, (_CH, _BI), 1)
               + i * _BI)
        jltf = jnp.where(jj2 < ii2, 1.0, 0.0)
        gtf = jnp.where(sj > si, 1.0, 0.0)
        eqf = jnp.where(sj == si, 1.0, 0.0)
        return _accum(gtf + eqf * jltf, acc)

    nlow = (i * _BI) // _CH
    nmid = ((i + 1) * _BI) // _CH
    acc8 = jnp.zeros((8, _BI), _F32)
    acc8 = lax.fori_loop(0, nlow, lower, acc8)
    acc8 = lax.fori_loop(nlow, nmid, mixed, acc8)
    acc8 = lax.fori_loop(nmid, N // _CH, upper, acc8)
    total = jnp.sum(acc8, axis=0, keepdims=True)
    rank_ref[...] = jnp.broadcast_to(total, (8, _BI)).astype(jnp.int32)


_BP = 128
_CHP = 128


def _invperm_body(rank_row_ref, s_row_ref, idx_ref, val_ref):
    p = pl.program_id(0)
    pc = (jax.lax.broadcasted_iota(jnp.int32, (_BP, _CHP), 0)
          + p * _BP)

    def body(c, carry):
        ai, av = carry
        rj = rank_row_ref[0:1, pl.ds(c * _CHP, _CHP)]
        sj = s_row_ref[0:1, pl.ds(c * _CHP, _CHP)]
        jjf = (jax.lax.broadcasted_iota(jnp.int32, (1, _CHP), 1)
               + c * _CHP).astype(_F32)
        m = rj == pc
        return ai + jnp.where(m, jjf, 0.0), av + jnp.where(m, sj, 0.0)

    z = jnp.zeros((_BP, _CHP), _F32)
    ai, av = lax.fori_loop(0, N // _CHP, body, (z, z))
    idx_ref[...] = jnp.sum(ai, axis=1, keepdims=True).astype(jnp.int32)
    val_ref[...] = jnp.sum(av, axis=1, keepdims=True)


_INFO = plsc.get_sparse_core_info()
_NC = _INFO.num_cores
_NS = _INFO.num_subcores
_NW = _NC * _NS
_sc_mesh = plsc.VectorSubcoreMesh(core_axis_name="c", subcore_axis_name="s")


_RPW = K // _NW
_GCH = 32
_NCHUNK = _RPW // _GCH


@functools.partial(
    pl.kernel,
    mesh=_sc_mesh,
    out_type=[
        jax.ShapeDtypeStruct((K, E), _F32),
        jax.ShapeDtypeStruct((K, D), _F32),
    ],
    scratch_types=[
        pltpu.VMEM((_NCHUNK, _GCH), jnp.int32),
        pltpu.VMEM((_GCH, E), _F32),
        pltpu.VMEM((_GCH, D), _F32),
        pltpu.SemaphoreType.DMA,
        pltpu.SemaphoreType.DMA,
    ],
)
def _sc_gather(adj_hbm, h_hbm, idx_hbm, adj_out, h_out, idx_v, abuf, hbuf,
               sem_a, sem_h):
    wid = lax.axis_index("s") * _NC + lax.axis_index("c")
    base = wid * _RPW
    for c in range(_NCHUNK):
        pltpu.sync_copy(idx_hbm.at[pl.ds(base + c * _GCH, _GCH)], idx_v.at[c])
    for c in range(_NCHUNK):
        cp_h = pltpu.async_copy(h_hbm.at[idx_v.at[c]], hbuf, sem_h)
        cp_a = pltpu.async_copy(adj_hbm.at[idx_v.at[c]], abuf, sem_a)
        cp_h.wait()
        pltpu.sync_copy(hbuf, h_out.at[pl.ds(base + c * _GCH, _GCH)])
        cp_a.wait()
        pltpu.sync_copy(abuf, adj_out.at[pl.ds(base + c * _GCH, _GCH)])


_BR = 256
_NP1 = K // _BR
_BM = 1024
_NMM = K // _BM


def _norm_body(rows_ref, hrows_ref, vals_ref, g_ref, nh_ref,
               bprime_ref, invde_ref, a_scr):
    s = pl.program_id(0)

    @pl.when(s < _NP1)
    def _phase1():
        x = rows_ref[...]
        rs = jnp.sum(x, axis=1, keepdims=True)
        invdv = jnp.where(rs > 0, lax.rsqrt(rs), 0.0)
        bprime_ref[pl.ds(s * _BR, _BR), :] = (x * invdv).astype(jnp.bfloat16)
        cs8 = jnp.broadcast_to(jnp.sum(x, axis=0, keepdims=True), (8, E))

        @pl.when(s == 0)
        def _():
            invde_ref[...] = cs8

        @pl.when(s > 0)
        def _():
            invde_ref[...] = invde_ref[...] + cs8

        @pl.when(s == _NP1 - 1)
        def _():
            de = invde_ref[...]
            invde_ref[...] = jnp.where(de > 0, 1.0 / de, 0.0)

        nh_ref[...] = hrows_ref[...] * vals_ref[...]

    @pl.when(s >= _NP1)
    def _phase2():
        t = s - _NP1
        i = t // _NMM
        j = t % _NMM

        @pl.when(j == 0)
        def _():
            a = bprime_ref[pl.ds(i * _BM, _BM), :].astype(_F32)
            a_scr[...] = (a * invde_ref[0:1, :]).astype(jnp.bfloat16)

        b = bprime_ref[pl.ds(j * _BM, _BM), :]
        g_ref[...] = lax.dot_general(a_scr[...], b,
                                     (((1,), (1,)), ((), ())),
                                     preferred_element_type=_F32)


def kernel(adj, h, W_proj, b_proj):
    scores = jax.nn.sigmoid(jnp.squeeze(h @ W_proj.T + b_proj))
    s_bc = jnp.broadcast_to(scores.reshape(N, 1), (N, _BI))
    s_row8 = jnp.broadcast_to(scores.reshape(1, N), (8, N))

    ranks8 = pl.pallas_call(
        _rank_body,
        grid=(N // _BI,),
        in_specs=[
            pl.BlockSpec((N, _BI), lambda i: (0, 0)),
            pl.BlockSpec((8, _BI), lambda i: (0, i)),
        ],
        out_specs=pl.BlockSpec((8, _BI), lambda i: (0, i)),
        out_shape=jax.ShapeDtypeStruct((8, N), jnp.int32),
    )(s_bc, s_row8)

    idx2d, vals = pl.pallas_call(
        _invperm_body,
        grid=(K // _BP,),
        in_specs=[
            pl.BlockSpec((8, N), lambda p: (0, 0)),
            pl.BlockSpec((8, N), lambda p: (0, 0)),
        ],
        out_specs=[
            pl.BlockSpec((_BP, 1), lambda p: (p, 0)),
            pl.BlockSpec((_BP, 1), lambda p: (p, 0)),
        ],
        out_shape=[
            jax.ShapeDtypeStruct((K, 1), jnp.int32),
            jax.ShapeDtypeStruct((K, 1), _F32),
        ],
    )(ranks8, s_row8)
    idx = idx2d.reshape(K)

    adj_rows, h_rows = _sc_gather(adj, h, idx)

    def _p1(s):
        return jnp.minimum(s, _NP1 - 1)

    def _mm(s):
        t = jnp.maximum(s - _NP1, 0)
        return t // _NMM, t % _NMM

    G, new_h = pl.pallas_call(
        _norm_body,
        grid=(_NP1 + _NMM * _NMM,),
        in_specs=[
            pl.BlockSpec((_BR, E), lambda s: (_p1(s), 0)),
            pl.BlockSpec((_BR, D), lambda s: (_p1(s), 0)),
            pl.BlockSpec((_BR, 1), lambda s: (_p1(s), 0)),
        ],
        out_specs=[
            pl.BlockSpec((_BM, _BM), lambda s: _mm(s)),
            pl.BlockSpec((_BR, D), lambda s: (_p1(s), 0)),
        ],
        out_shape=[
            jax.ShapeDtypeStruct((K, K), _F32),
            jax.ShapeDtypeStruct((K, D), _F32),
        ],
        scratch_shapes=[
            pltpu.VMEM((K, E), jnp.bfloat16),
            pltpu.VMEM((8, E), _F32),
            pltpu.VMEM((_BM, E), jnp.bfloat16),
        ],
    )(adj_rows, h_rows, vals)

    return (adj_rows, G, new_h, idx)

# --- scband reference (transcript-rebuilt; emitter-appended) ---
"""Pipeline reference for scband-pool-71347996721903 (READ-ONLY COPY).

The authoritative reference and input builder live on the scoring server;
editing this copy changes nothing except your own understanding.
"""

import jax, jax.numpy as jnp
import numpy as np


def _norm_hypergraph(H):
    # faithful translation of nrom_hypergraph (variable_weight=False)
    n_edge = H.shape[1]
    W = jnp.ones((n_edge,), dtype=H.dtype)
    DV = jnp.sum(H * W, axis=1)
    DE = jnp.sum(H, axis=0)
    invDE = jnp.diag(jnp.power(DE, -1.0))
    invDE = jnp.where(jnp.isinf(invDE), 0.0, invDE)
    invDV = jnp.power(DV, -0.5)
    invDV = jnp.where(jnp.isinf(invDV), 0.0, invDV)
    DV2 = jnp.diag(invDV)
    Wd = jnp.diag(W)
    HT = H.T
    G = DV2 @ H @ Wd @ invDE @ HT @ DV2
    return G


def setup_inputs(seed: int = 0):
    key = jax.random.key(seed)
    k1, k2, k3 = jax.random.split(key, 3)
    adj = jax.random.randint(k1, (4096, 2048), 0, 2).astype(jnp.float32)
    h = jax.random.normal(k2, (4096, 512), dtype=jnp.float32)
    # nn.Linear(in_dim=512, 1) parameters
    W_proj = jax.random.normal(k3, (1, 512), dtype=jnp.float32) * (1.0 / np.sqrt(512.0))
    b_proj = jnp.zeros((1,), dtype=jnp.float32)
    return {"adj": adj, "h": h, "W_proj": W_proj, "b_proj": b_proj}


def reference(adj, h, W_proj, b_proj):
    # Pool.forward: dropout p=0.0 -> identity
    Z = h
    weights = jnp.squeeze(Z @ W_proj.T + b_proj)
    scores = jax.nn.sigmoid(weights)
    # top_k_graph
    num_nodes = adj.shape[0]
    kk = max(2, int(0.5 * num_nodes))
    values, idx = jax.lax.top_k(scores, kk)
    new_h = h[idx, :] * values[:, None]
    un_g = (adj != 0).astype(adj.dtype)  # H.bool().float()
    H_sel = un_g[idx, :]
    G = _norm_hypergraph(H_sel)
    return (H_sel, G, new_h, idx)

if __name__ == "__main__":
    import jax
    _d = setup_inputs()
    print(jax.jit(kernel)(*tuple(_d.values())))

</pallas_src>

<mosaic_0001>
#map = affine_map<(d0, d1) -> (0, 0)>
#map1 = affine_map<(d0, d1) -> (0)>
module attributes {stable_mosaic.version = 14 : i64} {
  func.func @_sc_gather(%arg0: i32, %arg1: i32, %arg2: memref<4096x2048xf32, #tpu.memory_space<hbm>>, %arg3: memref<4096x512xf32, #tpu.memory_space<hbm>>, %arg4: memref<2048xi32, #tpu.memory_space<hbm>>, %arg5: memref<2048x2048xf32, #tpu.memory_space<hbm>>, %arg6: memref<2048x512xf32, #tpu.memory_space<hbm>>, %arg7: memref<2x32xi32, #tpu.memory_space<vmem>>, %arg8: memref<32x2048xf32, #tpu.memory_space<vmem>>, %arg9: memref<32x512xf32, #tpu.memory_space<vmem>>, %arg10: memref<!tpu.dma_semaphore, #tpu.memory_space<semaphore_mem>>, %arg11: memref<!tpu.dma_semaphore, #tpu.memory_space<semaphore_mem>>) attributes {dimension_semantics = [#tpu.dimension_semantics<core_parallel>, #tpu.dimension_semantics<subcore_parallel>], iteration_bounds = array<i64: 2, 16>, scalar_prefetch = 0 : i64, scratch_operands = 5 : i64, tpu.core_type = #tpu.core_type<sc_vector_subcore>, window_params = [{transform_indices = #map}, {transform_indices = #map}, {transform_indices = #map1}, {transform_indices = #map}, {transform_indices = #map}]} {
    %mul3A = arith.constant 2 : i32
    %mul3A_0 = arith.muli %arg1, %mul3A : i32
    %add3A = arith.addi %mul3A_0, %arg0 : i32
    %mul3A_1 = arith.constant 64 : i32
    %mul3A_2 = arith.muli %add3A, %mul3A_1 : i32
    %add3A_3 = arith.constant 0 : i32
    %add3A_4 = arith.addi %mul3A_2, %add3A_3 : i32
    %run_scoped3A = arith.constant 0 : i32
    "tpu.region"() ({
      %run_scoped3A_70 = tpu.sem_alloc : memref<!tpu.dma_semaphore, #tpu.memory_space<semaphore_mem>>
      %dma_start3A_71 = arith.constant 0 : i32
      %dma_start3A_72 = tpu.memref_slice %arg7[%run_scoped3A, %dma_start3A_71] : memref<2x32xi32, #tpu.memory_space<vmem>> -> memref<1x32xi32, #tpu.memory_space<vmem>>
      %dma_start3A_73 = tpu.memref_squeeze %dma_start3A_72 : memref<1x32xi32, #tpu.memory_space<vmem>> -> memref<32xi32, #tpu.memory_space<vmem>>
      %dma_start3A_74 = tpu.memref_slice %arg4[%add3A_4] : memref<2048xi32, #tpu.memory_space<hbm>> -> memref<32xi32, #tpu.memory_space<hbm>>
      %dma_start3A_75 = arith.constant 0 : i32
      %dma_start3A_76 = tpu.memref_slice %arg7[%run_scoped3A, %dma_start3A_75] : memref<2x32xi32, #tpu.memory_space<vmem>> -> memref<1x32xi32, #tpu.memory_space<vmem>>
      %dma_start3A_77 = tpu.memref_squeeze %dma_start3A_76 : memref<1x32xi32, #tpu.memory_space<vmem>> -> memref<32xi32, #tpu.memory_space<vmem>>
      %dma_start3A_78 = tpu.memref_slice %arg4[%add3A_4] : memref<2048xi32, #tpu.memory_space<hbm>> -> memref<32xi32, #tpu.memory_space<hbm>>
      tpu.enqueue_dma source(%dma_start3A_78 : memref<32xi32, #tpu.memory_space<hbm>>) target(%dma_start3A_77 : memref<32xi32, #tpu.memory_space<vmem>>) target_semaphore(%run_scoped3A_70 : memref<!tpu.dma_semaphore, #tpu.memory_space<semaphore_mem>>)
      %dma_wait3A_79 = arith.constant 0 : i32
      %dma_wait3A_80 = tpu.memref_slice %arg7[%run_scoped3A, %dma_wait3A_79] : memref<2x32xi32, #tpu.memory_space<vmem>> -> memref<1x32xi32, #tpu.memory_space<vmem>>
      %dma_wait3A_81 = tpu.memref_squeeze %dma_wait3A_80 : memref<1x32xi32, #tpu.memory_space<vmem>> -> memref<32xi32, #tpu.memory_space<vmem>>
      %dma_wait3A_82 = tpu.memref_slice %arg4[%add3A_4] : memref<2048xi32, #tpu.memory_space<hbm>> -> memref<32xi32, #tpu.memory_space<hbm>>
      %dma_wait3A_83 = arith.constant 0 : i32
      %dma_wait3A_84 = tpu.memref_slice %arg7[%run_scoped3A, %dma_wait3A_83] : memref<2x32xi32, #tpu.memory_space<vmem>> -> memref<1x32xi32, #tpu.memory_space<vmem>>
      %dma_wait3A_85 = tpu.memref_squeeze %dma_wait3A_84 : memref<1x32xi32, #tpu.memory_space<vmem>> -> memref<32xi32, #tpu.memory_space<vmem>>
      %dma_wait3A_86 = tpu.memref_slice %arg4[%add3A_4] : memref<2048xi32, #tpu.memory_space<hbm>> -> memref<32xi32, #tpu.memory_space<hbm>>
      tpu.wait_dma2 semaphore(%run_scoped3A_70 : memref<!tpu.dma_semaphore, #tpu.memory_space<semaphore_mem>>) src(%dma_wait3A_86 : memref<32xi32, #tpu.memory_space<hbm>>) dst(%dma_wait3A_85 : memref<32xi32, #tpu.memory_space<vmem>>)
      tpu.yield
    }) : () -> ()
    %add3A_5 = arith.constant 32 : i32
    %add3A_6 = arith.addi %mul3A_2, %add3A_5 : i32
    %run_scoped3A_7 = arith.constant 1 : i32
    "tpu.region"() ({
      %run_scoped3A_70 = tpu.sem_alloc : memref<!tpu.dma_semaphore, #tpu.memory_space<semaphore_mem>>
      %dma_start3A_71 = arith.constant 0 : i32
      %dma_start3A_72 = tpu.memref_slice %arg7[%run_scoped3A_7, %dma_start3A_71] : memref<2x32xi32, #tpu.memory_space<vmem>> -> memref<1x32xi32, #tpu.memory_space<vmem>>
      %dma_start3A_73 = tpu.memref_squeeze %dma_start3A_72 : memref<1x32xi32, #tpu.memory_space<vmem>> -> memref<32xi32, #tpu.memory_space<vmem>>
      %dma_start3A_74 = tpu.memref_slice %arg4[%add3A_6] : memref<2048xi32, #tpu.memory_space<hbm>> -> memref<32xi32, #tpu.memory_space<hbm>>
      %dma_start3A_75 = arith.constant 0 : i32
      %dma_start3A_76 = tpu.memref_slice %arg7[%run_scoped3A_7, %dma_start3A_75] : memref<2x32xi32, #tpu.memory_space<vmem>> -> memref<1x32xi32, #tpu.memory_space<vmem>>
      %dma_start3A_77 = tpu.memref_squeeze %dma_start3A_76 : memref<1x32xi32, #tpu.memory_space<vmem>> -> memref<32xi32, #tpu.memory_space<vmem>>
      %dma_start3A_78 = tpu.memref_slice %arg4[%add3A_6] : memref<2048xi32, #tpu.memory_space<hbm>> -> memref<32xi32, #tpu.memory_space<hbm>>
      tpu.enqueue_dma source(%dma_start3A_78 : memref<32xi32, #tpu.memory_space<hbm>>) target(%dma_start3A_77 : memref<32xi32, #tpu.memory_space<vmem>>) target_semaphore(%run_scoped3A_70 : memref<!tpu.dma_semaphore, #tpu.memory_space<semaphore_mem>>)
      %dma_wait3A_79 = arith.constant 0 : i32
      %dma_wait3A_80 = tpu.memref_slice %arg7[%run_scoped3A_7, %dma_wait3A_79] : memref<2x32xi32, #tpu.memory_space<vmem>> -> memref<1x32xi32, #tpu.memory_space<vmem>>
      %dma_wait3A_81 = tpu.memref_squeeze %dma_wait3A_80 : memref<1x32xi32, #tpu.memory_space<vmem>> -> memref<32xi32, #tpu.memory_space<vmem>>
      %dma_wait3A_82 = tpu.memref_slice %arg4[%add3A_6] : memref<2048xi32, #tpu.memory_space<hbm>> -> memref<32xi32, #tpu.memory_space<hbm>>
      %dma_wait3A_83 = arith.constant 0 : i32
      %dma_wait3A_84 = tpu.memref_slice %arg7[%run_scoped3A_7, %dma_wait3A_83] : memref<2x32xi32, #tpu.memory_space<vmem>> -> memref<1x32xi32, #tpu.memory_space<vmem>>
      %dma_wait3A_85 = tpu.memref_squeeze %dma_wait3A_84 : memref<1x32xi32, #tpu.memory_space<vmem>> -> memref<32xi32, #tpu.memory_space<vmem>>
      %dma_wait3A_86 = tpu.memref_slice %arg4[%add3A_6] : memref<2048xi32, #tpu.memory_space<hbm>> -> memref<32xi32, #tpu.memory_space<hbm>>
      tpu.wait_dma2 semaphore(%run_scoped3A_70 : memref<!tpu.dma_semaphore, #tpu.memory_space<semaphore_mem>>) src(%dma_wait3A_86 : memref<32xi32, #tpu.memory_space<hbm>>) dst(%dma_wait3A_85 : memref<32xi32, #tpu.memory_space<vmem>>)
      tpu.yield
    }) : () -> ()
    %dma_start3A = arith.constant 0 : i32
    %dma_start3A_8 = arith.constant 0 : i32
    %dma_start3A_9 = tpu.memref_slice %arg7[%dma_start3A, %dma_start3A_8] : memref<2x32xi32, #tpu.memory_space<vmem>> -> memref<1x32xi32, #tpu.memory_space<vmem>>
    %dma_start3A_10 = tpu.memref_squeeze %dma_start3A_9 : memref<1x32xi32, #tpu.memory_space<vmem>> -> memref<32xi32, #tpu.memory_space<vmem>>
    %dma_start3A_11 = arith.constant 0 : i32
    %dma_start3A_12 = arith.constant 0 : i32
    %dma_start3A_13 = tpu.memref_slice %arg3[%dma_start3A_11, %dma_start3A_12] : memref<4096x512xf32, #tpu.memory_space<hbm>> -> memref<4096x512xf32, #tpu.memory_space<hbm>>
    tpu.enqueue_indirect_dma source(%dma_start3A_13 : memref<4096x512xf32, #tpu.memory_space<hbm>>) target(%arg9 : memref<32x512xf32, #tpu.memory_space<vmem>>) offsets(%dma_start3A_10 : memref<32xi32, #tpu.memory_space<vmem>>) semaphore(%arg11 : memref<!tpu.dma_semaphore, #tpu.memory_space<semaphore_mem>>)
    %dma_start3A_14 = arith.constant 0 : i32
    %dma_start3A_15 = arith.constant 0 : i32
    %dma_start3A_16 = tpu.memref_slice %arg7[%dma_start3A_14, %dma_start3A_15] : memref<2x32xi32, #tpu.memory_space<vmem>> -> memref<1x32xi32, #tpu.memory_space<vmem>>
    %dma_start3A_17 = tpu.memref_squeeze %dma_start3A_16 : memref<1x32xi32, #tpu.memory_space<vmem>> -> memref<32xi32, #tpu.memory_space<vmem>>
    %dma_start3A_18 = arith.constant 0 : i32
    %dma_start3A_19 = arith.constant 0 : i32
    %dma_start3A_20 = tpu.memref_slice %arg2[%dma_start3A_18, %dma_start3A_19] : memref<4096x2048xf32, #tpu.memory_space<hbm>> -> memref<4096x2048xf32, #tpu.memory_space<hbm>>
    tpu.enqueue_indirect_dma source(%dma_start3A_20 : memref<4096x2048xf32, #tpu.memory_space<hbm>>) target(%arg8 : memref<32x2048xf32, #tpu.memory_space<vmem>>) offsets(%dma_start3A_17 : memref<32xi32, #tpu.memory_space<vmem>>) semaphore(%arg10 : memref<!tpu.dma_semaphore, #tpu.memory_space<semaphore_mem>>)
    %dma_wait3A = arith.constant 0 : i32
    %dma_wait3A_21 = arith.constant 0 : i32
    %dma_wait3A_22 = tpu.memref_slice %arg7[%dma_wait3A, %dma_wait3A_21] : memref<2x32xi32, #tpu.memory_space<vmem>> -> memref<1x32xi32, #tpu.memory_space<vmem>>
    %dma_wait3A_23 = tpu.memref_squeeze %dma_wait3A_22 : memref<1x32xi32, #tpu.memory_space<vmem>> -> memref<32xi32, #tpu.memory_space<vmem>>
    %dma_wait3A_24 = arith.constant 0 : i32
    %dma_wait3A_25 = arith.constant 0 : i32
    %dma_wait3A_26 = tpu.memref_slice %arg3[%dma_wait3A_24, %dma_wait3A_25] : memref<4096x512xf32, #tpu.memory_space<hbm>> -> memref<4096x512xf32, #tpu.memory_space<hbm>>
    tpu.wait_indirect_dma semaphore(%arg11 : memref<!tpu.dma_semaphore, #tpu.memory_space<semaphore_mem>>) src(%dma_wait3A_26 : memref<4096x512xf32, #tpu.memory_space<hbm>>) dst(%arg9 : memref<32x512xf32, #tpu.memory_space<vmem>>)
    %add3A_27 = arith.constant 0 : i32
    %add3A_28 = arith.addi %mul3A_2, %add3A_27 : i32
    "tpu.region"() ({
      %run_scoped3A_70 = tpu.sem_alloc : memref<!tpu.dma_semaphore, #tpu.memory_space<semaphore_mem>>
      %dma_start3A_71 = arith.constant 0 : i32
      %dma_start3A_72 = tpu.memref_slice %arg6[%add3A_28, %dma_start3A_71] : memref<2048x512xf32, #tpu.memory_space<hbm>> -> memref<32x512xf32, #tpu.memory_space<hbm>>
      %dma_start3A_73 = arith.constant 0 : i32
      %dma_start3A_74 = tpu.memref_slice %arg6[%add3A_28, %dma_start3A_73] : memref<2048x512xf32, #tpu.memory_space<hbm>> -> memref<32x512xf32, #tpu.memory_space<hbm>>
      tpu.enqueue_dma source(%arg9 : memref<32x512xf32, #tpu.memory_space<vmem>>) target(%dma_start3A_74 : memref<32x512xf32, #tpu.memory_space<hbm>>) target_semaphore(%run_scoped3A_70 : memref<!tpu.dma_semaphore, #tpu.memory_space<semaphore_mem>>)
      %dma_wait3A_75 = arith.constant 0 : i32
      %dma_wait3A_76 = tpu.memref_slice %arg6[%add3A_28, %dma_wait3A_75] : memref<2048x512xf32, #tpu.memory_space<hbm>> -> memref<32x512xf32, #tpu.memory_space<hbm>>
      %dma_wait3A_77 = arith.constant 0 : i32
      %dma_wait3A_78 = tpu.memref_slice %arg6[%add3A_28, %dma_wait3A_77] : memref<2048x512xf32, #tpu.memory_space<hbm>> -> memref<32x512xf32, #tpu.memory_space<hbm>>
      tpu.wait_dma2 semaphore(%run_scoped3A_70 : memref<!tpu.dma_semaphore, #tpu.memory_space<semaphore_mem>>) src(%arg9 : memref<32x512xf32, #tpu.memory_space<vmem>>) dst(%dma_wait3A_78 : memref<32x512xf32, #tpu.memory_space<hbm>>)
      tpu.yield
    }) : () -> ()
    %dma_wait3A_29 = arith.constant 0 : i32
    %dma_wait3A_30 = arith.constant 0 : i32
    %dma_wait3A_31 = tpu.memref_slice %arg7[%dma_wait3A_29, %dma_wait3A_30] : memref<2x32xi32, #tpu.memory_space<vmem>> -> memref<1x32xi32, #tpu.memory_space<vmem>>
    %dma_wait3A_32 = tpu.memref_squeeze %dma_wait3A_31 : memref<1x32xi32, #tpu.memory_space<vmem>> -> memref<32xi32, #tpu.memory_space<vmem>>
    %dma_wait3A_33 = arith.constant 0 : i32
    %dma_wait3A_34 = arith.constant 0 : i32
    %dma_wait3A_35 = tpu.memref_slice %arg2[%dma_wait3A_33, %dma_wait3A_34] : memref<4096x2048xf32, #tpu.memory_space<hbm>> -> memref<4096x2048xf32, #tpu.memory_space<hbm>>
    tpu.wait_indirect_dma semaphore(%arg10 : memref<!tpu.dma_semaphore, #tpu.memory_space<semaphore_mem>>) src(%dma_wait3A_35 : memref<4096x2048xf32, #tpu.memory_space<hbm>>) dst(%arg8 : memref<32x2048xf32, #tpu.memory_space<vmem>>)
    %add3A_36 = arith.constant 0 : i32
    %add3A_37 = arith.addi %mul3A_2, %add3A_36 : i32
    "tpu.region"() ({
      %run_scoped3A_70 = tpu.sem_alloc : memref<!tpu.dma_semaphore, #tpu.memory_space<semaphore_mem>>
      %dma_start3A_71 = arith.constant 0 : i32
      %dma_start3A_72 = tpu.memref_slice %arg5[%add3A_37, %dma_start3A_71] : memref<2048x2048xf32, #tpu.memory_space<hbm>> -> memref<32x2048xf32, #tpu.memory_space<hbm>>
      %dma_start3A_73 = arith.constant 0 : i32
      %dma_start3A_74 = tpu.memref_slice %arg5[%add3A_37, %dma_start3A_73] : memref<2048x2048xf32, #tpu.memory_space<hbm>> -> memref<32x2048xf32, #tpu.memory_space<hbm>>
      tpu.enqueue_dma source(%arg8 : memref<32x2048xf32, #tpu.memory_space<vmem>>) target(%dma_start3A_74 : memref<32x2048xf32, #tpu.memory_space<hbm>>) target_semaphore(%run_scoped3A_70 : memref<!tpu.dma_semaphore, #tpu.memory_space<semaphore_mem>>)
      %dma_wait3A_75 = arith.constant 0 : i32
      %dma_wait3A_76 = tpu.memref_slice %arg5[%add3A_37, %dma_wait3A_75] : memref<2048x2048xf32, #tpu.memory_space<hbm>> -> memref<32x2048xf32, #tpu.memory_space<hbm>>
      %dma_wait3A_77 = arith.constant 0 : i32
      %dma_wait3A_78 = tpu.memref_slice %arg5[%add3A_37, %dma_wait3A_77] : memref<2048x2048xf32, #tpu.memory_space<hbm>> -> memref<32x2048xf32, #tpu.memory_space<hbm>>
      tpu.wait_dma2 semaphore(%run_scoped3A_70 : memref<!tpu.dma_semaphore, #tpu.memory_space<semaphore_mem>>) src(%arg8 : memref<32x2048xf32, #tpu.memory_space<vmem>>) dst(%dma_wait3A_78 : memref<32x2048xf32, #tpu.memory_space<hbm>>)
      tpu.yield
    }) : () -> ()
    %dma_start3A_38 = arith.constant 1 : i32
    %dma_start3A_39 = arith.constant 0 : i32
    %dma_start3A_40 = tpu.memref_slice %arg7[%dma_start3A_38, %dma_start3A_39] : memref<2x32xi32, #tpu.memory_space<vmem>> -> memref<1x32xi32, #tpu.memory_space<vmem>>
    %dma_start3A_41 = tpu.memref_squeeze %dma_start3A_40 : memref<1x32xi32, #tpu.memory_space<vmem>> -> memref<32xi32, #tpu.memory_space<vmem>>
    %dma_start3A_42 = arith.constant 0 : i32
    %dma_start3A_43 = arith.constant 0 : i32
    %dma_start3A_44 = tpu.memref_slice %arg3[%dma_start3A_42, %dma_start3A_43] : memref<4096x512xf32, #tpu.memory_space<hbm>> -> memref<4096x512xf32, #tpu.memory_space<hbm>>
    tpu.enqueue_indirect_dma source(%dma_start3A_44 : memref<4096x512xf32, #tpu.memory_space<hbm>>) target(%arg9 : memref<32x512xf32, #tpu.memory_space<vmem>>) offsets(%dma_start3A_41 : memref<32xi32, #tpu.memory_space<vmem>>) semaphore(%arg11 : memref<!tpu.dma_semaphore, #tpu.memory_space<semaphore_mem>>)
    %dma_start3A_45 = arith.constant 1 : i32
    %dma_start3A_46 = arith.constant 0 : i32
    %dma_start3A_47 = tpu.memref_slice %arg7[%dma_start3A_45, %dma_start3A_46] : memref<2x32xi32, #tpu.memory_space<vmem>> -> memref<1x32xi32, #tpu.memory_space<vmem>>
    %dma_start3A_48 = tpu.memref_squeeze %dma_start3A_47 : memref<1x32xi32, #tpu.memory_space<vmem>> -> memref<32xi32, #tpu.memory_space<vmem>>
    %dma_start3A_49 = arith.constant 0 : i32
    %dma_start3A_50 = arith.constant 0 : i32
    %dma_start3A_51 = tpu.memref_slice %arg2[%dma_start3A_49, %dma_start3A_50] : memref<4096x2048xf32, #tpu.memory_space<hbm>> -> memref<4096x2048xf32, #tpu.memory_space<hbm>>
    tpu.enqueue_indirect_dma source(%dma_start3A_51 : memref<4096x2048xf32, #tpu.memory_space<hbm>>) target(%arg8 : memref<32x2048xf32, #tpu.memory_space<vmem>>) offsets(%dma_start3A_48 : memref<32xi32, #tpu.memory_space<vmem>>) semaphore(%arg10 : memref<!tpu.dma_semaphore, #tpu.memory_space<semaphore_mem>>)
    %dma_wait3A_52 = arith.constant 1 : i32
    %dma_wait3A_53 = arith.constant 0 : i32
    %dma_wait3A_54 = tpu.memref_slice %arg7[%dma_wait3A_52, %dma_wait3A_53] : memref<2x32xi32, #tpu.memory_space<vmem>> -> memref<1x32xi32, #tpu.memory_space<vmem>>
    %dma_wait3A_55 = tpu.memref_squeeze %dma_wait3A_54 : memref<1x32xi32, #tpu.memory_space<vmem>> -> memref<32xi32, #tpu.memory_space<vmem>>
    %dma_wait3A_56 = arith.constant 0 : i32
    %dma_wait3A_57 = arith.constant 0 : i32
    %dma_wait3A_58 = tpu.memref_slice %arg3[%dma_wait3A_56, %dma_wait3A_57] : memref<4096x512xf32, #tpu.memory_space<hbm>> -> memref<4096x512xf32, #tpu.memory_space<hbm>>
    tpu.wait_indirect_dma semaphore(%arg11 : memref<!tpu.dma_semaphore, #tpu.memory_space<semaphore_mem>>) src(%dma_wait3A_58 : memref<4096x512xf32, #tpu.memory_space<hbm>>) dst(%arg9 : memref<32x512xf32, #tpu.memory_space<vmem>>)
    %add3A_59 = arith.constant 32 : i32
    %add3A_60 = arith.addi %mul3A_2, %add3A_59 : i32
    "tpu.region"() ({
      %run_scoped3A_70 = tpu.sem_alloc : memref<!tpu.dma_semaphore, #tpu.memory_space<semaphore_mem>>
      %dma_start3A_71 = arith.constant 0 : i32
      %dma_start3A_72 = tpu.memref_slice %arg6[%add3A_60, %dma_start3A_71] : memref<2048x512xf32, #tpu.memory_space<hbm>> -> memref<32x512xf32, #tpu.memory_space<hbm>>
      %dma_start3A_73 = arith.constant 0 : i32
      %dma_start3A_74 = tpu.memref_slice %arg6[%add3A_60, %dma_start3A_73] : memref<2048x512xf32, #tpu.memory_space<hbm>> -> memref<32x512xf32, #tpu.memory_space<hbm>>
      tpu.enqueue_dma source(%arg9 : memref<32x512xf32, #tpu.memory_space<vmem>>) target(%dma_start3A_74 : memref<32x512xf32, #tpu.memory_space<hbm>>) target_semaphore(%run_scoped3A_70 : memref<!tpu.dma_semaphore, #tpu.memory_space<semaphore_mem>>)
      %dma_wait3A_75 = arith.constant 0 : i32
      %dma_wait3A_76 = tpu.memref_slice %arg6[%add3A_60, %dma_wait3A_75] : memref<2048x512xf32, #tpu.memory_space<hbm>> -> memref<32x512xf32, #tpu.memory_space<hbm>>
      %dma_wait3A_77 = arith.constant 0 : i32
      %dma_wait3A_78 = tpu.memref_slice %arg6[%add3A_60, %dma_wait3A_77] : memref<2048x512xf32, #tpu.memory_space<hbm>> -> memref<32x512xf32, #tpu.memory_space<hbm>>
      tpu.wait_dma2 semaphore(%run_scoped3A_70 : memref<!tpu.dma_semaphore, #tpu.memory_space<semaphore_mem>>) src(%arg9 : memref<32x512xf32, #tpu.memory_space<vmem>>) dst(%dma_wait3A_78 : memref<32x512xf32, #tpu.memory_space<hbm>>)
      tpu.yield
    }) : () -> ()
    %dma_wait3A_61 = arith.constant 1 : i32
    %dma_wait3A_62 = arith.constant 0 : i32
    %dma_wait3A_63 = tpu.memref_slice %arg7[%dma_wait3A_61, %dma_wait3A_62] : memref<2x32xi32, #tpu.memory_space<vmem>> -> memref<1x32xi32, #tpu.memory_space<vmem>>
    %dma_wait3A_64 = tpu.memref_squeeze %dma_wait3A_63 : memref<1x32xi32, #tpu.memory_space<vmem>> -> memref<32xi32, #tpu.memory_space<vmem>>
    %dma_wait3A_65 = arith.constant 0 : i32
    %dma_wait3A_66 = arith.constant 0 : i32
    %dma_wait3A_67 = tpu.memref_slice %arg2[%dma_wait3A_65, %dma_wait3A_66] : memref<4096x2048xf32, #tpu.memory_space<hbm>> -> memref<4096x2048xf32, #tpu.memory_space<hbm>>
    tpu.wait_indirect_dma semaphore(%arg10 : memref<!tpu.dma_semaphore, #tpu.memory_space<semaphore_mem>>) src(%dma_wait3A_67 : memref<4096x2048xf32, #tpu.memory_space<hbm>>) dst(%arg8 : memref<32x2048xf32, #tpu.memory_space<vmem>>)
    %add3A_68 = arith.constant 32 : i32
    %add3A_69 = arith.addi %mul3A_2, %add3A_68 : i32
    "tpu.region"() ({
      %run_scoped3A_70 = tpu.sem_alloc : memref<!tpu.dma_semaphore, #tpu.memory_space<semaphore_mem>>
      %dma_start3A_71 = arith.constant 0 : i32
      %dma_start3A_72 = tpu.memref_slice %arg5[%add3A_69, %dma_start3A_71] : memref<2048x2048xf32, #tpu.memory_space<hbm>> -> memref<32x2048xf32, #tpu.memory_space<hbm>>
      %dma_start3A_73 = arith.constant 0 : i32
      %dma_start3A_74 = tpu.memref_slice %arg5[%add3A_69, %dma_start3A_73] : memref<2048x2048xf32, #tpu.memory_space<hbm>> -> memref<32x2048xf32, #tpu.memory_space<hbm>>
      tpu.enqueue_dma source(%arg8 : memref<32x2048xf32, #tpu.memory_space<vmem>>) target(%dma_start3A_74 : memref<32x2048xf32, #tpu.memory_space<hbm>>) target_semaphore(%run_scoped3A_70 : memref<!tpu.dma_semaphore, #tpu.memory_space<semaphore_mem>>)
      %dma_wait3A_75 = arith.constant 0 : i32
      %dma_wait3A_76 = tpu.memref_slice %arg5[%add3A_69, %dma_wait3A_75] : memref<2048x2048xf32, #tpu.memory_space<hbm>> -> memref<32x2048xf32, #tpu.memory_space<hbm>>
      %dma_wait3A_77 = arith.constant 0 : i32
      %dma_wait3A_78 = tpu.memref_slice %arg5[%add3A_69, %dma_wait3A_77] : memref<2048x2048xf32, #tpu.memory_space<hbm>> -> memref<32x2048xf32, #tpu.memory_space<hbm>>
      tpu.wait_dma2 semaphore(%run_scoped3A_70 : memref<!tpu.dma_semaphore, #tpu.memory_space<semaphore_mem>>) src(%arg8 : memref<32x2048xf32, #tpu.memory_space<vmem>>) dst(%dma_wait3A_78 : memref<32x2048xf32, #tpu.memory_space<hbm>>)
      tpu.yield
    }) : () -> ()
    return
  }
}

module attributes {stable_mosaic.version = 14 : i64} {
  func.func @_rank_body(%arg0: i32, %arg1: memref<4096x256xf32, #tpu.memory_space<vmem>>, %arg2: memref<8x256xf32, #tpu.memory_space<vmem>>, %arg3: memref<8x256xi32, #tpu.memory_space<vmem>>) attributes {dimension_semantics = [#tpu.dimension_semantics<arbitrary>], iteration_bounds = array<i64: 16>, scalar_prefetch = 0 : i64, scratch_operands = 0 : i64, tpu.core_type = #tpu.core_type<tc>, window_params = [{pipeline_mode = #tpu.pipeline_mode<synchronous>, transform_indices = @transform_0, window_bounds = array<i64: 4096, 256>}, {transform_indices = @transform_1, window_bounds = array<i64: 8, 256>}, {transform_indices = @transform_2, window_bounds = array<i64: 8, 256>}]} {
    %get3A = arith.constant 0 : index
    %get3A_0 = arith.constant 0 : index
    %get3A_1 = vector.load %arg2[%get3A, %get3A_0] : memref<8x256xf32, #tpu.memory_space<vmem>>, vector<1x256xf32>
    %mul3A = arith.constant 256 : i32
    %mul3A_2 = arith.muli %arg0, %mul3A : i32
    %jit3A = arith.constant 128 : i32
    %div3A = arith.divsi %mul3A_2, %jit3A : i32
    %sign3A = arith.constant 0 : i32
    %sign3A_3 = arith.cmpi sgt, %mul3A_2, %sign3A : i32
    %sign3A_4 = arith.extui %sign3A_3 : i1 to i32
    %sign3A_5 = arith.constant 0 : i32
    %sign3A_6 = arith.cmpi slt, %mul3A_2, %sign3A_5 : i32
    %sign3A_7 = arith.extui %sign3A_6 : i1 to i32
    %sign3A_8 = arith.subi %sign3A_4, %sign3A_7 : i32
    %sign3A_9 = arith.constant 0 : i32
    %sign3A_10 = arith.cmpi sgt, %jit3A, %sign3A_9 : i32
    %sign3A_11 = arith.extui %sign3A_10 : i1 to i32
    %sign3A_12 = arith.constant 0 : i32
    %sign3A_13 = arith.cmpi slt, %jit3A, %sign3A_12 : i32
    %sign3A_14 = arith.extui %sign3A_13 : i1 to i32
    %sign3A_15 = arith.subi %sign3A_11, %sign3A_14 : i32
    %ne3A = arith.cmpi ne, %sign3A_8, %sign3A_15 : i32
    %rem3A = arith.remsi %mul3A_2, %jit3A : i32
    %ne3A_16 = arith.constant 0 : i32
    %ne3A_17 = arith.cmpi ne, %rem3A, %ne3A_16 : i32
    %and3A = arith.andi %ne3A, %ne3A_17 : i1
    %sub3A = arith.constant 1 : i32
    %sub3A_18 = arith.subi %div3A, %sub3A : i32
    %select_n3A = arith.select %and3A, %sub3A_18, %div3A : i32
    %add3A = arith.constant 1 : i32
    %add3A_19 = arith.addi %arg0, %add3A : i32
    %mul3A_20 = arith.constant 256 : i32
    %mul3A_21 = arith.muli %add3A_19, %mul3A_20 : i32
    %jit3A_22 = arith.constant 128 : i32
    %div3A_23 = arith.divsi %mul3A_21, %jit3A_22 : i32
    %sign3A_24 = arith.constant 0 : i32
    %sign3A_25 = arith.cmpi sgt, %mul3A_21, %sign3A_24 : i32
    %sign3A_26 = arith.extui %sign3A_25 : i1 to i32
    %sign3A_27 = arith.constant 0 : i32
    %sign3A_28 = arith.cmpi slt, %mul3A_21, %sign3A_27 : i32
    %sign3A_29 = arith.extui %sign3A_28 : i1 to i32
    %sign3A_30 = arith.subi %sign3A_26, %sign3A_29 : i32
    %sign3A_31 = arith.constant 0 : i32
    %sign3A_32 = arith.cmpi sgt, %jit3A_22, %sign3A_31 : i32
    %sign3A_33 = arith.extui %sign3A_32 : i1 to i32
    %sign3A_34 = arith.constant 0 : i32
    %sign3A_35 = arith.cmpi slt, %jit3A_22, %sign3A_34 : i32
    %sign3A_36 = arith.extui %sign3A_35 : i1 to i32
    %sign3A_37 = arith.subi %sign3A_33, %sign3A_36 : i32
    %ne3A_38 = arith.cmpi ne, %sign3A_30, %sign3A_37 : i32
    %rem3A_39 = arith.remsi %mul3A_21, %jit3A_22 : i32
    %ne3A_40 = arith.constant 0 : i32
    %ne3A_41 = arith.cmpi ne, %rem3A_39, %ne3A_40 : i32
    %and3A_42 = arith.andi %ne3A_38, %ne3A_41 : i1
    %sub3A_43 = arith.constant 1 : i32
    %sub3A_44 = arith.subi %div3A_23, %sub3A_43 : i32
    %select_n3A_45 = arith.select %and3A_42, %sub3A_44, %div3A_23 : i32
    %broadcast_in_dim3A = arith.constant 0.000000e+00 : f32
    %broadcast_in_dim3A_46 = vector.broadcast %broadcast_in_dim3A : f32 to vector<8x256xf32>
    %while3A = arith.constant 0 : i32
    %while3A_47 = arith.subi %select_n3A, %while3A : i32
    %while3A_48 = arith.addi %while3A, %while3A_47 : i32
    %while3A_49 = arith.constant 1 : i32
    %while3A_50 = arith.divsi %while3A_47, %while3A_49 : i32
    %while3A_51 = arith.muli %while3A_50, %while3A_49 : i32
    %while3A_52 = arith.addi %while3A, %while3A_51 : i32
    %while3A_53 = arith.constant 1 : i32
    %while3A_54 = scf.for %while3A_84 = %while3A to %while3A_52 step %while3A_53 iter_args(%while3A_85 = %broadcast_in_dim3A_46) -> (vector<8x256xf32>)  : i32 {
      %mul3A_86 = arith.constant 128 : i32
      %mul3A_87 = arith.muli %while3A_84, %mul3A_86 : i32
      %get3A_88 = arith.index_cast %mul3A_87 : i32 to index
      %get3A_89 = arith.constant 0 : index
      %get3A_90 = vector.load %arg1[%get3A_88, %get3A_89] : memref<4096x256xf32, #tpu.memory_space<vmem>>, vector<128x256xf32>
      %ge3A = vector.broadcast %get3A_1 : vector<1x256xf32> to vector<128x256xf32>
      %ge3A_91 = arith.cmpf oge, %get3A_90, %ge3A : vector<128x256xf32>
      %jit3A_92 = arith.constant 1.000000e+00 : f32
      %jit3A_93 = arith.constant 0.000000e+00 : f32
      %broadcast_in_dim3A_94 = vector.broadcast %jit3A_92 : f32 to vector<128x256xf32>
      %broadcast_in_dim3A_95 = vector.broadcast %jit3A_93 : f32 to vector<128x256xf32>
      %select_n3A_96 = arith.select %ge3A_91, %broadcast_in_dim3A_94, %broadcast_in_dim3A_95 : vector<128x256xi1>, vector<128x256xf32>
      %slice3A = vector.extract_strided_slice %select_n3A_96 {offsets = [0, 0], sizes = [64, 256], strides = [1, 1]} : vector<128x256xf32> to vector<64x256xf32>
      %slice3A_97 = vector.extract_strided_slice %select_n3A_96 {offsets = [64, 0], sizes = [64, 256], strides = [1, 1]} : vector<128x256xf32> to vector<64x256xf32>
      %add3A_98 = arith.addf %slice3A, %slice3A_97 : vector<64x256xf32>
      %slice3A_99 = vector.extract_strided_slice %add3A_98 {offsets = [0, 0], sizes = [32, 256], strides = [1, 1]} : vector<64x256xf32> to vector<32x256xf32>
      %slice3A_100 = vector.extract_strided_slice %add3A_98 {offsets = [32, 0], sizes = [32, 256], strides = [1, 1]} : vector<64x256xf32> to vector<32x256xf32>
      %add3A_101 = arith.addf %slice3A_99, %slice3A_100 : vector<32x256xf32>
      %slice3A_102 = vector.extract_strided_slice %add3A_101 {offsets = [0, 0], sizes = [16, 256], strides = [1, 1]} : vector<32x256xf32> to vector<16x256xf32>
      %slice3A_103 = vector.extract_strided_slice %add3A_101 {offsets = [16, 0], sizes = [16, 256], strides = [1, 1]} : vector<32x256xf32> to vector<16x256xf32>
      %add3A_104 = arith.addf %slice3A_102, %slice3A_103 : vector<16x256xf32>
      %slice3A_105 = vector.extract_strided_slice %add3A_104 {offsets = [0, 0], sizes = [8, 256], strides = [1, 1]} : vector<16x256xf32> to vector<8x256xf32>
      %slice3A_106 = vector.extract_strided_slice %add3A_104 {offsets = [8, 0], sizes = [8, 256], strides = [1, 1]} : vector<16x256xf32> to vector<8x256xf32>
      %add3A_107 = arith.addf %slice3A_105, %slice3A_106 : vector<8x256xf32>
      %add3A_108 = arith.addf %while3A_85, %add3A_107 : vector<8x256xf32>
      scf.yield %add3A_108 : vector<8x256xf32>
    }
    %while3A_55 = arith.constant 1 : i32
    %while3A_56 = scf.for %while3A_84 = %while3A_52 to %while3A_48 step %while3A_55 iter_args(%while3A_85 = %while3A_54) -> (vector<8x256xf32>)  : i32 {
      %mul3A_86 = arith.constant 128 : i32
      %mul3A_87 = arith.muli %while3A_84, %mul3A_86 : i32
      %get3A_88 = arith.index_cast %mul3A_87 : i32 to index
      %get3A_89 = arith.constant 0 : index
      %get3A_90 = vector.load %arg1[%get3A_88, %get3A_89] : memref<4096x256xf32, #tpu.memory_space<vmem>>, vector<128x256xf32>
      %ge3A = vector.broadcast %get3A_1 : vector<1x256xf32> to vector<128x256xf32>
      %ge3A_91 = arith.cmpf oge, %get3A_90, %ge3A : vector<128x256xf32>
      %jit3A_92 = arith.constant 1.000000e+00 : f32
      %jit3A_93 = arith.constant 0.000000e+00 : f32
      %broadcast_in_dim3A_94 = vector.broadcast %jit3A_92 : f32 to vector<128x256xf32>
      %broadcast_in_dim3A_95 = vector.broadcast %jit3A_93 : f32 to vector<128x256xf32>
      %select_n3A_96 = arith.select %ge3A_91, %broadcast_in_dim3A_94, %broadcast_in_dim3A_95 : vector<128x256xi1>, vector<128x256xf32>
      %slice3A = vector.extract_strided_slice %select_n3A_96 {offsets = [0, 0], sizes = [64, 256], strides = [1, 1]} : vector<128x256xf32> to vector<64x256xf32>
      %slice3A_97 = vector.extract_strided_slice %select_n3A_96 {offsets = [64, 0], sizes = [64, 256], strides = [1, 1]} : vector<128x256xf32> to vector<64x256xf32>
      %add3A_98 = arith.addf %slice3A, %slice3A_97 : vector<64x256xf32>
      %slice3A_99 = vector.extract_strided_slice %add3A_98 {offsets = [0, 0], sizes = [32, 256], strides = [1, 1]} : vector<64x256xf32> to vector<32x256xf32>
      %slice3A_100 = vector.extract_strided_slice %add3A_98 {offsets = [32, 0], sizes = [32, 256], strides = [1, 1]} : vector<64x256xf32> to vector<32x256xf32>
      %add3A_101 = arith.addf %slice3A_99, %slice3A_100 : vector<32x256xf32>
      %slice3A_102 = vector.extract_strided_slice %add3A_101 {offsets = [0, 0], sizes = [16, 256], strides = [1, 1]} : vector<32x256xf32> to vector<16x256xf32>
      %slice3A_103 = vector.extract_strided_slice %add3A_101 {offsets = [16, 0], sizes = [16, 256], strides = [1, 1]} : vector<32x256xf32> to vector<16x256xf32>
      %add3A_104 = arith.addf %slice3A_102, %slice3A_103 : vector<16x256xf32>
      %slice3A_105 = vector.extract_strided_slice %add3A_104 {offsets = [0, 0], sizes = [8, 256], strides = [1, 1]} : vector<16x256xf32> to vector<8x256xf32>
      %slice3A_106 = vector.extract_strided_slice %add3A_104 {offsets = [8, 0], sizes = [8, 256], strides = [1, 1]} : vector<16x256xf32> to vector<8x256xf32>
      %add3A_107 = arith.addf %slice3A_105, %slice3A_106 : vector<8x256xf32>
      %add3A_108 = arith.addf %while3A_85, %add3A_107 : vector<8x256xf32>
      scf.yield %add3A_108 : vector<8x256xf32>
    }
    %while3A_57 = arith.subi %select_n3A_45, %select_n3A : i32
    %while3A_58 = arith.addi %select_n3A, %while3A_57 : i32
    %while3A_59 = arith.constant 1 : i32
    %while3A_60 = arith.divsi %while3A_57, %while3A_59 : i32
    %while3A_61 = arith.muli %while3A_60, %while3A_59 : i32
    %while3A_62 = arith.addi %select_n3A, %while3A_61 : i32
    %while3A_63 = arith.constant 1 : i32
    %while3A_64 = scf.for %while3A_84 = %select_n3A to %while3A_62 step %while3A_63 iter_args(%while3A_85 = %while3A_56) -> (vector<8x256xf32>)  : i32 {
      %mul3A_86 = arith.constant 128 : i32
      %mul3A_87 = arith.muli %while3A_84, %mul3A_86 : i32
      %get3A_88 = arith.index_cast %mul3A_87 : i32 to index
      %get3A_89 = arith.constant 0 : index
      %get3A_90 = vector.load %arg1[%get3A_88, %get3A_89] : memref<4096x256xf32, #tpu.memory_space<vmem>>, vector<128x256xf32>
      %iota3A = tpu.iota {dimensions = array<i32: 0>} : vector<128x256xi32>
      %mul3A_91 = arith.constant 128 : i32
      %mul3A_92 = arith.muli %while3A_84, %mul3A_91 : i32
      %add3A_93 = vector.broadcast %mul3A_92 : i32 to vector<128x256xi32>
      %add3A_94 = arith.addi %iota3A, %add3A_93 : vector<128x256xi32>
      %iota3A_95 = tpu.iota {dimensions = array<i32: 1>} : vector<128x256xi32>
      %mul3A_96 = arith.constant 256 : i32
      %mul3A_97 = arith.muli %arg0, %mul3A_96 : i32
      %add3A_98 = vector.broadcast %mul3A_97 : i32 to vector<128x256xi32>
      %add3A_99 = arith.addi %iota3A_95, %add3A_98 : vector<128x256xi32>
      %lt3A = arith.cmpi slt, %add3A_94, %add3A_99 : vector<128x256xi32>
      %jit3A_100 = arith.constant 1.000000e+00 : f32
      %jit3A_101 = arith.constant 0.000000e+00 : f32
      %broadcast_in_dim3A_102 = vector.broadcast %jit3A_100 : f32 to vector<128x256xf32>
      %broadcast_in_dim3A_103 = vector.broadcast %jit3A_101 : f32 to vector<128x256xf32>
      %select_n3A_104 = arith.select %lt3A, %broadcast_in_dim3A_102, %broadcast_in_dim3A_103 : vector<128x256xi1>, vector<128x256xf32>
      %gt3A = vector.broadcast %get3A_1 : vector<1x256xf32> to vector<128x256xf32>
      %gt3A_105 = arith.cmpf ogt, %get3A_90, %gt3A : vector<128x256xf32>
      %jit3A_106 = arith.constant 1.000000e+00 : f32
      %jit3A_107 = arith.constant 0.000000e+00 : f32
      %broadcast_in_dim3A_108 = vector.broadcast %jit3A_106 : f32 to vector<128x256xf32>
      %broadcast_in_dim3A_109 = vector.broadcast %jit3A_107 : f32 to vector<128x256xf32>
      %select_n3A_110 = arith.select %gt3A_105, %broadcast_in_dim3A_108, %broadcast_in_dim3A_109 : vector<128x256xi1>, vector<128x256xf32>
      %eq3A = vector.broadcast %get3A_1 : vector<1x256xf32> to vector<128x256xf32>
      %eq3A_111 = arith.cmpf oeq, %get3A_90, %eq3A : vector<128x256xf32>
      %jit3A_112 = arith.constant 1.000000e+00 : f32
      %jit3A_113 = arith.constant 0.000000e+00 : f32
      %broadcast_in_dim3A_114 = vector.broadcast %jit3A_112 : f32 to vector<128x256xf32>
      %broadcast_in_dim3A_115 = vector.broadcast %jit3A_113 : f32 to vector<128x256xf32>
      %select_n3A_116 = arith.select %eq3A_111, %broadcast_in_dim3A_114, %broadcast_in_dim3A_115 : vector<128x256xi1>, vector<128x256xf32>
      %mul3A_117 = arith.mulf %select_n3A_116, %select_n3A_104 : vector<128x256xf32>
      %add3A_118 = arith.addf %select_n3A_110, %mul3A_117 : vector<128x256xf32>
      %slice3A = vector.extract_strided_slice %add3A_118 {offsets = [0, 0], sizes = [64, 256], strides = [1, 1]} : vector<128x256xf32> to vector<64x256xf32>
      %slice3A_119 = vector.extract_strided_slice %add3A_118 {offsets = [64, 0], sizes = [64, 256], strides = [1, 1]} : vector<128x256xf32> to vector<64x256xf32>
      %add3A_120 = arith.addf %slice3A, %slice3A_119 : vector<64x256xf32>
      %slice3A_121 = vector.extract_strided_slice %add3A_120 {offsets = [0, 0], sizes = [32, 256], strides = [1, 1]} : vector<64x256xf32> to vector<32x256xf32>
      %slice3A_122 = vector.extract_strided_slice %add3A_120 {offsets = [32, 0], sizes = [32, 256], strides = [1, 1]} : vector<64x256xf32> to vector<32x256xf32>
      %add3A_123 = arith.addf %slice3A_121, %slice3A_122 : vector<32x256xf32>
      %slice3A_124 = vector.extract_strided_slice %add3A_123 {offsets = [0, 0], sizes = [16, 256], strides = [1, 1]} : vector<32x256xf32> to vector<16x256xf32>
      %slice3A_125 = vector.extract_strided_slice %add3A_123 {offsets = [16, 0], sizes = [16, 256], strides = [1, 1]} : vector<32x256xf32> to vector<16x256xf32>
      %add3A_126 = arith.addf %slice3A_124, %slice3A_125 : vector<16x256xf32>
      %slice3A_127 = vector.extract_strided_slice %add3A_126 {offsets = [0, 0], sizes = [8, 256], strides = [1, 1]} : vector<16x256xf32> to vector<8x256xf32>
      %slice3A_128 = vector.extract_strided_slice %add3A_126 {offsets = [8, 0], sizes = [8, 256], strides = [1, 1]} : vector<16x256xf32> to vector<8x256xf32>
      %add3A_129 = arith.addf %slice3A_127, %slice3A_128 : vector<8x256xf32>
      %add3A_130 = arith.addf %while3A_85, %add3A_129 : vector<8x256xf32>
      scf.yield %add3A_130 : vector<8x256xf32>
    }
    %while3A_65 = arith.constant 1 : i32
    %while3A_66 = scf.for %while3A_84 = %while3A_62 to %while3A_58 step %while3A_65 iter_args(%while3A_85 = %while3A_64) -> (vector<8x256xf32>)  : i32 {
      %mul3A_86 = arith.constant 128 : i32
      %mul3A_87 = arith.muli %while3A_84, %mul3A_86 : i32
      %get3A_88 = arith.index_cast %mul3A_87 : i32 to index
      %get3A_89 = arith.constant 0 : index
      %get3A_90 = vector.load %arg1[%get3A_88, %get3A_89] : memref<4096x256xf32, #tpu.memory_space<vmem>>, vector<128x256xf32>
      %iota3A = tpu.iota {dimensions = array<i32: 0>} : vector<128x256xi32>
      %mul3A_91 = arith.constant 128 : i32
      %mul3A_92 = arith.muli %while3A_84, %mul3A_91 : i32
      %add3A_93 = vector.broadcast %mul3A_92 : i32 to vector<128x256xi32>
      %add3A_94 = arith.addi %iota3A, %add3A_93 : vector<128x256xi32>
      %iota3A_95 = tpu.iota {dimensions = array<i32: 1>} : vector<128x256xi32>
      %mul3A_96 = arith.constant 256 : i32
      %mul3A_97 = arith.muli %arg0, %mul3A_96 : i32
      %add3A_98 = vector.broadcast %mul3A_97 : i32 to vector<128x256xi32>
      %add3A_99 = arith.addi %iota3A_95, %add3A_98 : vector<128x256xi32>
      %lt3A = arith.cmpi slt, %add3A_94, %add3A_99 : vector<128x256xi32>
      %jit3A_100 = arith.constant 1.000000e+00 : f32
      %jit3A_101 = arith.constant 0.000000e+00 : f32
      %broadcast_in_dim3A_102 = vector.broadcast %jit3A_100 : f32 to vector<128x256xf32>
      %broadcast_in_dim3A_103 = vector.broadcast %jit3A_101 : f32 to vector<128x256xf32>
      %select_n3A_104 = arith.select %lt3A, %broadcast_in_dim3A_102, %broadcast_in_dim3A_103 : vector<128x256xi1>, vector<128x256xf32>
      %gt3A = vector.broadcast %get3A_1 : vector<1x256xf32> to vector<128x256xf32>
      %gt3A_105 = arith.cmpf ogt, %get3A_90, %gt3A : vector<128x256xf32>
      %jit3A_106 = arith.constant 1.000000e+00 : f32
      %jit3A_107 = arith.constant 0.000000e+00 : f32
      %broadcast_in_dim3A_108 = vector.broadcast %jit3A_106 : f32 to vector<128x256xf32>
      %broadcast_in_dim3A_109 = vector.broadcast %jit3A_107 : f32 to vector<128x256xf32>
      %select_n3A_110 = arith.select %gt3A_105, %broadcast_in_dim3A_108, %broadcast_in_dim3A_109 : vector<128x256xi1>, vector<128x256xf32>
      %eq3A = vector.broadcast %get3A_1 : vector<1x256xf32> to vector<128x256xf32>
      %eq3A_111 = arith.cmpf oeq, %get3A_90, %eq3A : vector<128x256xf32>
      %jit3A_112 = arith.constant 1.000000e+00 : f32
      %jit3A_113 = arith.constant 0.000000e+00 : f32
      %broadcast_in_dim3A_114 = vector.broadcast %jit3A_112 : f32 to vector<128x256xf32>
      %broadcast_in_dim3A_115 = vector.broadcast %jit3A_113 : f32 to vector<128x256xf32>
      %select_n3A_116 = arith.select %eq3A_111, %broadcast_in_dim3A_114, %broadcast_in_dim3A_115 : vector<128x256xi1>, vector<128x256xf32>
      %mul3A_117 = arith.mulf %select_n3A_116, %select_n3A_104 : vector<128x256xf32>
      %add3A_118 = arith.addf %select_n3A_110, %mul3A_117 : vector<128x256xf32>
      %slice3A = vector.extract_strided_slice %add3A_118 {offsets = [0, 0], sizes = [64, 256], strides = [1, 1]} : vector<128x256xf32> to vector<64x256xf32>
      %slice3A_119 = vector.extract_strided_slice %add3A_118 {offsets = [64, 0], sizes = [64, 256], strides = [1, 1]} : vector<128x256xf32> to vector<64x256xf32>
      %add3A_120 = arith.addf %slice3A, %slice3A_119 : vector<64x256xf32>
      %slice3A_121 = vector.extract_strided_slice %add3A_120 {offsets = [0, 0], sizes = [32, 256], strides = [1, 1]} : vector<64x256xf32> to vector<32x256xf32>
      %slice3A_122 = vector.extract_strided_slice %add3A_120 {offsets = [32, 0], sizes = [32, 256], strides = [1, 1]} : vector<64x256xf32> to vector<32x256xf32>
      %add3A_123 = arith.addf %slice3A_121, %slice3A_122 : vector<32x256xf32>
      %slice3A_124 = vector.extract_strided_slice %add3A_123 {offsets = [0, 0], sizes = [16, 256], strides = [1, 1]} : vector<32x256xf32> to vector<16x256xf32>
      %slice3A_125 = vector.extract_strided_slice %add3A_123 {offsets = [16, 0], sizes = [16, 256], strides = [1, 1]} : vector<32x256xf32> to vector<16x256xf32>
      %add3A_126 = arith.addf %slice3A_124, %slice3A_125 : vector<16x256xf32>
      %slice3A_127 = vector.extract_strided_slice %add3A_126 {offsets = [0, 0], sizes = [8, 256], strides = [1, 1]} : vector<16x256xf32> to vector<8x256xf32>
      %slice3A_128 = vector.extract_strided_slice %add3A_126 {offsets = [8, 0], sizes = [8, 256], strides = [1, 1]} : vector<16x256xf32> to vector<8x256xf32>
      %add3A_129 = arith.addf %slice3A_127, %slice3A_128 : vector<8x256xf32>
      %add3A_130 = arith.addf %while3A_85, %add3A_129 : vector<8x256xf32>
      scf.yield %add3A_130 : vector<8x256xf32>
    }
    %while3A_67 = arith.constant 32 : i32
    %while3A_68 = arith.subi %while3A_67, %select_n3A_45 : i32
    %while3A_69 = arith.addi %select_n3A_45, %while3A_68 : i32
    %while3A_70 = arith.constant 1 : i32
    %while3A_71 = arith.divsi %while3A_68, %while3A_70 : i32
    %while3A_72 = arith.muli %while3A_71, %while3A_70 : i32
    %while3A_73 = arith.addi %select_n3A_45, %while3A_72 : i32
    %while3A_74 = arith.constant 1 : i32
    %while3A_75 = scf.for %while3A_84 = %select_n3A_45 to %while3A_73 step %while3A_74 iter_args(%while3A_85 = %while3A_66) -> (vector<8x256xf32>)  : i32 {
      %mul3A_86 = arith.constant 128 : i32
      %mul3A_87 = arith.muli %while3A_84, %mul3A_86 : i32
      %get3A_88 = arith.index_cast %mul3A_87 : i32 to index
      %get3A_89 = arith.constant 0 : index
      %get3A_90 = vector.load %arg1[%get3A_88, %get3A_89] : memref<4096x256xf32, #tpu.memory_space<vmem>>, vector<128x256xf32>
      %gt3A = vector.broadcast %get3A_1 : vector<1x256xf32> to vector<128x256xf32>
      %gt3A_91 = arith.cmpf ogt, %get3A_90, %gt3A : vector<128x256xf32>
      %jit3A_92 = arith.constant 1.000000e+00 : f32
      %jit3A_93 = arith.constant 0.000000e+00 : f32
      %broadcast_in_dim3A_94 = vector.broadcast %jit3A_92 : f32 to vector<128x256xf32>
      %broadcast_in_dim3A_95 = vector.broadcast %jit3A_93 : f32 to vector<128x256xf32>
      %select_n3A_96 = arith.select %gt3A_91, %broadcast_in_dim3A_94, %broadcast_in_dim3A_95 : vector<128x256xi1>, vector<128x256xf32>
      %slice3A = vector.extract_strided_slice %select_n3A_96 {offsets = [0, 0], sizes = [64, 256], strides = [1, 1]} : vector<128x256xf32> to vector<64x256xf32>
      %slice3A_97 = vector.extract_strided_slice %select_n3A_96 {offsets = [64, 0], sizes = [64, 256], strides = [1, 1]} : vector<128x256xf32> to vector<64x256xf32>
      %add3A_98 = arith.addf %slice3A, %slice3A_97 : vector<64x256xf32>
      %slice3A_99 = vector.extract_strided_slice %add3A_98 {offsets = [0, 0], sizes = [32, 256], strides = [1, 1]} : vector<64x256xf32> to vector<32x256xf32>
      %slice3A_100 = vector.extract_strided_slice %add3A_98 {offsets = [32, 0], sizes = [32, 256], strides = [1, 1]} : vector<64x256xf32> to vector<32x256xf32>
      %add3A_101 = arith.addf %slice3A_99, %slice3A_100 : vector<32x256xf32>
      %slice3A_102 = vector.extract_strided_slice %add3A_101 {offsets = [0, 0], sizes = [16, 256], strides = [1, 1]} : vector<32x256xf32> to vector<16x256xf32>
      %slice3A_103 = vector.extract_strided_slice %add3A_101 {offsets = [16, 0], sizes = [16, 256], strides = [1, 1]} : vector<32x256xf32> to vector<16x256xf32>
      %add3A_104 = arith.addf %slice3A_102, %slice3A_103 : vector<16x256xf32>
      %slice3A_105 = vector.extract_strided_slice %add3A_104 {offsets = [0, 0], sizes = [8, 256], strides = [1, 1]} : vector<16x256xf32> to vector<8x256xf32>
      %slice3A_106 = vector.extract_strided_slice %add3A_104 {offsets = [8, 0], sizes = [8, 256], strides = [1, 1]} : vector<16x256xf32> to vector<8x256xf32>
      %add3A_107 = arith.addf %slice3A_105, %slice3A_106 : vector<8x256xf32>
      %add3A_108 = arith.addf %while3A_85, %add3A_107 : vector<8x256xf32>
      scf.yield %add3A_108 : vector<8x256xf32>
    }
    %while3A_76 = arith.constant 1 : i32
    %while3A_77 = scf.for %while3A_84 = %while3A_73 to %while3A_69 step %while3A_76 iter_args(%while3A_85 = %while3A_75) -> (vector<8x256xf32>)  : i32 {
      %mul3A_86 = arith.constant 128 : i32
      %mul3A_87 = arith.muli %while3A_84, %mul3A_86 : i32
      %get3A_88 = arith.index_cast %mul3A_87 : i32 to index
      %get3A_89 = arith.constant 0 : index
      %get3A_90 = vector.load %arg1[%get3A_88, %get3A_89] : memref<4096x256xf32, #tpu.memory_space<vmem>>, vector<128x256xf32>
      %gt3A = vector.broadcast %get3A_1 : vector<1x256xf32> to vector<128x256xf32>
      %gt3A_91 = arith.cmpf ogt, %get3A_90, %gt3A : vector<128x256xf32>
      %jit3A_92 = arith.constant 1.000000e+00 : f32
      %jit3A_93 = arith.constant 0.000000e+00 : f32
      %broadcast_in_dim3A_94 = vector.broadcast %jit3A_92 : f32 to vector<128x256xf32>
      %broadcast_in_dim3A_95 = vector.broadcast %jit3A_93 : f32 to vector<128x256xf32>
      %select_n3A_96 = arith.select %gt3A_91, %broadcast_in_dim3A_94, %broadcast_in_dim3A_95 : vector<128x256xi1>, vector<128x256xf32>
      %slice3A = vector.extract_strided_slice %select_n3A_96 {offsets = [0, 0], sizes = [64, 256], strides = [1, 1]} : vector<128x256xf32> to vector<64x256xf32>
      %slice3A_97 = vector.extract_strided_slice %select_n3A_96 {offsets = [64, 0], sizes = [64, 256], strides = [1, 1]} : vector<128x256xf32> to vector<64x256xf32>
      %add3A_98 = arith.addf %slice3A, %slice3A_97 : vector<64x256xf32>
      %slice3A_99 = vector.extract_strided_slice %add3A_98 {offsets = [0, 0], sizes = [32, 256], strides = [1, 1]} : vector<64x256xf32> to vector<32x256xf32>
      %slice3A_100 = vector.extract_strided_slice %add3A_98 {offsets = [32, 0], sizes = [32, 256], strides = [1, 1]} : vector<64x256xf32> to vector<32x256xf32>
      %add3A_101 = arith.addf %slice3A_99, %slice3A_100 : vector<32x256xf32>
      %slice3A_102 = vector.extract_strided_slice %add3A_101 {offsets = [0, 0], sizes = [16, 256], strides = [1, 1]} : vector<32x256xf32> to vector<16x256xf32>
      %slice3A_103 = vector.extract_strided_slice %add3A_101 {offsets = [16, 0], sizes = [16, 256], strides = [1, 1]} : vector<32x256xf32> to vector<16x256xf32>
      %add3A_104 = arith.addf %slice3A_102, %slice3A_103 : vector<16x256xf32>
      %slice3A_105 = vector.extract_strided_slice %add3A_104 {offsets = [0, 0], sizes = [8, 256], strides = [1, 1]} : vector<16x256xf32> to vector<8x256xf32>
      %slice3A_106 = vector.extract_strided_slice %add3A_104 {offsets = [8, 0], sizes = [8, 256], strides = [1, 1]} : vector<16x256xf32> to vector<8x256xf32>
      %add3A_107 = arith.addf %slice3A_105, %slice3A_106 : vector<8x256xf32>
      %add3A_108 = arith.addf %while3A_85, %add3A_107 : vector<8x256xf32>
      scf.yield %add3A_108 : vector<8x256xf32>
    }
    %reduce_sum3A = arith.constant dense<0.000000e+00> : vector<256xf32>
    %reduce_sum3A_78 = vector.multi_reduction <add>, %while3A_77, %reduce_sum3A [0] : vector<8x256xf32> to vector<256xf32>
    %broadcast_in_dim3A_79 = vector.shape_cast %reduce_sum3A_78 : vector<256xf32> to vector<1x256xf32>
    %broadcast_in_dim3A_80 = vector.shape_cast %broadcast_in_dim3A_79 : vector<1x256xf32> to vector<1x256xf32>
    %broadcast_in_dim3A_81 = vector.broadcast %broadcast_in_dim3A_80 : vector<1x256xf32> to vector<8x256xf32>
    %convert_element_type3A = arith.fptosi %broadcast_in_dim3A_81 : vector<8x256xf32> to vector<8x256xi32>
    %swap3A = arith.constant 0 : index
    %swap3A_82 = arith.constant 0 : index
    %swap3A_83 = vector.load %arg3[%swap3A, %swap3A_82] : memref<8x256xi32, #tpu.memory_space<vmem>>, vector<8x256xi32>
    tpu.vector_store %arg3[%swap3A, %swap3A_82], %convert_element_type3A {strides = array<i32>} : memref<8x256xi32, #tpu.memory_space<vmem>>, vector<8x256xi32>,
    return
  }
  func.func @transform_0(%arg0: i32) -> (i32, i32) {
    %c0_i32 = arith.constant 0 : i32
    %c0_i32_0 = arith.constant 0 : i32
    %c0_i32_1 = arith.constant 0 : i32
    return %c0_i32, %c0_i32_0 : i32, i32
  }
  func.func @transform_1(%arg0: i32) -> (i32, i32) {
    %c0_i32 = arith.constant 0 : i32
    %c0_i32_0 = arith.constant 0 : i32
    return %c0_i32, %arg0 : i32, i32
  }
  func.func @transform_2(%arg0: i32) -> (i32, i32) {
    %c0_i32 = arith.constant 0 : i32
    %c0_i32_0 = arith.constant 0 : i32
    return %c0_i32, %arg0 : i32, i32
  }
}

module attributes {stable_mosaic.version = 14 : i64} {
  func.func @_invperm_body(%arg0: i32, %arg1: memref<8x4096xi32, #tpu.memory_space<vmem>>, %arg2: memref<8x4096xf32, #tpu.memory_space<vmem>>, %arg3: memref<128x1xi32, #tpu.memory_space<vmem>>, %arg4: memref<128x1xf32, #tpu.memory_space<vmem>>) attributes {dimension_semantics = [#tpu.dimension_semantics<arbitrary>], iteration_bounds = array<i64: 16>, scalar_prefetch = 0 : i64, scratch_operands = 0 : i64, tpu.core_type = #tpu.core_type<tc>, window_params = [{pipeline_mode = #tpu.pipeline_mode<synchronous>, transform_indices = @transform_0, window_bounds = array<i64: 8, 4096>}, {pipeline_mode = #tpu.pipeline_mode<synchronous>, transform_indices = @transform_1, window_bounds = array<i64: 8, 4096>}, {transform_indices = @transform_2, window_bounds = array<i64: 128, 1>}, {transform_indices = @transform_3, window_bounds = array<i64: 128, 1>}]} {
    %iota3A = tpu.iota {dimensions = array<i32: 0>} : vector<128x128xi32>
    %mul3A = arith.constant 128 : i32
    %mul3A_0 = arith.muli %arg0, %mul3A : i32
    %add3A = vector.broadcast %mul3A_0 : i32 to vector<128x128xi32>
    %add3A_1 = arith.addi %iota3A, %add3A : vector<128x128xi32>
    %broadcast_in_dim3A = arith.constant 0.000000e+00 : f32
    %broadcast_in_dim3A_2 = vector.broadcast %broadcast_in_dim3A : f32 to vector<128x128xf32>
    %scan3A = arith.constant 0 : i32
    %scan3A_3 = arith.constant 32 : i32
    %scan3A_4 = arith.addi %scan3A, %scan3A_3 : i32
    %scan3A_5 = arith.constant 1 : i32
    %scan3A_6:2 = scf.for %scan3A_18 = %scan3A to %scan3A_4 step %scan3A_5 iter_args(%scan3A_19 = %broadcast_in_dim3A_2, %scan3A_20 = %broadcast_in_dim3A_2) -> (vector<128x128xf32>, vector<128x128xf32>)  : i32 {
      %mul3A_21 = arith.constant 128 : i32
      %mul3A_22 = arith.muli %scan3A_18, %mul3A_21 : i32
      %get3A = arith.constant 0 : index
      %get3A_23 = arith.index_cast %mul3A_22 : i32 to index
      %get3A_24 = vector.load %arg1[%get3A, %get3A_23] : memref<8x4096xi32, #tpu.memory_space<vmem>>, vector<1x128xi32>
      %mul3A_25 = arith.constant 128 : i32
      %mul3A_26 = arith.muli %scan3A_18, %mul3A_25 : i32
      %get3A_27 = arith.constant 0 : index
      %get3A_28 = arith.index_cast %mul3A_26 : i32 to index
      %get3A_29 = vector.load %arg2[%get3A_27, %get3A_28] : memref<8x4096xf32, #tpu.memory_space<vmem>>, vector<1x128xf32>
      %iota3A_30 = tpu.iota {dimensions = array<i32: 1>} : vector<1x128xi32>
      %mul3A_31 = arith.constant 128 : i32
      %mul3A_32 = arith.muli %scan3A_18, %mul3A_31 : i32
      %add3A_33 = vector.broadcast %mul3A_32 : i32 to vector<1x128xi32>
      %add3A_34 = arith.addi %iota3A_30, %add3A_33 : vector<1x128xi32>
      %convert_element_type3A_35 = arith.sitofp %add3A_34 : vector<1x128xi32> to vector<1x128xf32>
      %eq3A = vector.broadcast %get3A_24 : vector<1x128xi32> to vector<128x128xi32>
      %eq3A_36 = arith.cmpi eq, %eq3A, %add3A_1 : vector<128x128xi32>
      %jit3A = arith.constant 0.000000e+00 : f32
      %broadcast_in_dim3A_37 = vector.shape_cast %convert_element_type3A_35 : vector<1x128xf32> to vector<1x128xf32>
      %broadcast_in_dim3A_38 = vector.broadcast %broadcast_in_dim3A_37 : vector<1x128xf32> to vector<128x128xf32>
      %broadcast_in_dim3A_39 = vector.broadcast %jit3A : f32 to vector<128x128xf32>
      %select_n3A = arith.select %eq3A_36, %broadcast_in_dim3A_38, %broadcast_in_dim3A_39 : vector<128x128xi1>, vector<128x128xf32>
      %add3A_40 = arith.addf %scan3A_19, %select_n3A : vector<128x128xf32>
      %jit3A_41 = arith.constant 0.000000e+00 : f32
      %broadcast_in_dim3A_42 = vector.shape_cast %get3A_29 : vector<1x128xf32> to vector<1x128xf32>
      %broadcast_in_dim3A_43 = vector.broadcast %broadcast_in_dim3A_42 : vector<1x128xf32> to vector<128x128xf32>
      %broadcast_in_dim3A_44 = vector.broadcast %jit3A_41 : f32 to vector<128x128xf32>
      %select_n3A_45 = arith.select %eq3A_36, %broadcast_in_dim3A_43, %broadcast_in_dim3A_44 : vector<128x128xi1>, vector<128x128xf32>
      %add3A_46 = arith.addf %scan3A_20, %select_n3A_45 : vector<128x128xf32>
      scf.yield %add3A_40, %add3A_46 : vector<128x128xf32>, vector<128x128xf32>
    }
    %scan3A_7 = arith.constant 32 : i32
    %reduce_sum3A = arith.constant dense<0.000000e+00> : vector<128xf32>
    %reduce_sum3A_8 = vector.multi_reduction <add>, %scan3A_6#0, %reduce_sum3A [1] : vector<128x128xf32> to vector<128xf32>
    %broadcast_in_dim3A_9 = vector.shape_cast %reduce_sum3A_8 : vector<128xf32> to vector<128x1xf32>
    %convert_element_type3A = arith.fptosi %broadcast_in_dim3A_9 : vector<128x1xf32> to vector<128x1xi32>
    %swap3A = arith.constant 0 : index
    %swap3A_10 = arith.constant 0 : index
    %swap3A_11 = vector.load %arg3[%swap3A, %swap3A_10] : memref<128x1xi32, #tpu.memory_space<vmem>>, vector<128x1xi32>
    tpu.vector_store %arg3[%swap3A, %swap3A_10], %convert_element_type3A {strides = array<i32>} : memref<128x1xi32, #tpu.memory_space<vmem>>, vector<128x1xi32>,
    %reduce_sum3A_12 = arith.constant dense<0.000000e+00> : vector<128xf32>
    %reduce_sum3A_13 = vector.multi_reduction <add>, %scan3A_6#1, %reduce_sum3A_12 [1] : vector<128x128xf32> to vector<128xf32>
    %broadcast_in_dim3A_14 = vector.shape_cast %reduce_sum3A_13 : vector<128xf32> to vector<128x1xf32>
    %swap3A_15 = arith.constant 0 : index
    %swap3A_16 = arith.constant 0 : index
    %swap3A_17 = vector.load %arg4[%swap3A_15, %swap3A_16] : memref<128x1xf32, #tpu.memory_space<vmem>>, vector<128x1xf32>
    tpu.vector_store %arg4[%swap3A_15, %swap3A_16], %broadcast_in_dim3A_14 {strides = array<i32>} : memref<128x1xf32, #tpu.memory_space<vmem>>, vector<128x1xf32>,
    return
  }
  func.func @transform_0(%arg0: i32) -> (i32, i32) {
    %c0_i32 = arith.constant 0 : i32
    %c0_i32_0 = arith.constant 0 : i32
    %c0_i32_1 = arith.constant 0 : i32
    return %c0_i32, %c0_i32_0 : i32, i32
  }
  func.func @transform_1(%arg0: i32) -> (i32, i32) {
    %c0_i32 = arith.constant 0 : i32
    %c0_i32_0 = arith.constant 0 : i32
    %c0_i32_1 = arith.constant 0 : i32
    return %c0_i32, %c0_i32_0 : i32, i32
  }
  func.func @transform_2(%arg0: i32) -> (i32, i32) {
    %c0_i32 = arith.constant 0 : i32
    %c0_i32_0 = arith.constant 0 : i32
    return %arg0, %c0_i32 : i32, i32
  }
  func.func @transform_3(%arg0: i32) -> (i32, i32) {
    %c0_i32 = arith.constant 0 : i32
    %c0_i32_0 = arith.constant 0 : i32
    return %arg0, %c0_i32 : i32, i32
  }
}

module attributes {stable_mosaic.version = 14 : i64} {
  func.func @_norm_body(%arg0: i32, %arg1: memref<256x2048xf32, #tpu.memory_space<vmem>>, %arg2: memref<256x512xf32, #tpu.memory_space<vmem>>, %arg3: memref<256x1xf32, #tpu.memory_space<vmem>>, %arg4: memref<1024x1024xf32, #tpu.memory_space<vmem>>, %arg5: memref<256x512xf32, #tpu.memory_space<vmem>>, %arg6: memref<2048x2048xbf16, #tpu.memory_space<vmem>>, %arg7: memref<8x2048xf32, #tpu.memory_space<vmem>>, %arg8: memref<1024x2048xbf16, #tpu.memory_space<vmem>>) attributes {dimension_semantics = [#tpu.dimension_semantics<arbitrary>], iteration_bounds = array<i64: 12>, scalar_prefetch = 0 : i64, scratch_operands = 3 : i64, tpu.core_type = #tpu.core_type<tc>, window_params = [{transform_indices = @transform_0, window_bounds = array<i64: 256, 2048>}, {transform_indices = @transform_1, window_bounds = array<i64: 256, 512>}, {transform_indices = @transform_2, window_bounds = array<i64: 256, 1>}, {transform_indices = @transform_3, window_bounds = array<i64: 1024, 1024>}, {transform_indices = @transform_4, window_bounds = array<i64: 256, 512>}]} {
    %lt3A = arith.constant 8 : i32
    %lt3A_0 = arith.cmpi slt, %arg0, %lt3A : i32
    %convert_element_type3A = arith.extui %lt3A_0 : i1 to i32
    %cond3A = arith.constant 0 : i32
    %cond3A_1 = arith.cmpi ne, %convert_element_type3A, %cond3A : i32
    scf.if %cond3A_1 {
      %get3A = arith.constant 0 : index
      %get3A_6 = arith.constant 0 : index
      %get3A_7 = vector.load %arg1[%get3A, %get3A_6] : memref<256x2048xf32, #tpu.memory_space<vmem>>, vector<256x2048xf32>
      %reduce_sum3A = arith.constant dense<0.000000e+00> : vector<256xf32>
      %reduce_sum3A_8 = vector.multi_reduction <add>, %get3A_7, %reduce_sum3A [1] : vector<256x2048xf32> to vector<256xf32>
      %broadcast_in_dim3A = vector.shape_cast %reduce_sum3A_8 : vector<256xf32> to vector<256x1xf32>
      %gt3A = arith.constant 0.000000e+00 : f32
      %gt3A_9 = vector.broadcast %gt3A : f32 to vector<256x1xf32>
      %gt3A_10 = arith.cmpf ogt, %broadcast_in_dim3A, %gt3A_9 : vector<256x1xf32>
      %rsqrt3A = math.rsqrt %broadcast_in_dim3A : vector<256x1xf32>
      %jit3A = arith.constant 0.000000e+00 : f32
      %broadcast_in_dim3A_11 = vector.broadcast %jit3A : f32 to vector<256x1xf32>
      %select_n3A = arith.select %gt3A_10, %rsqrt3A, %broadcast_in_dim3A_11 : vector<256x1xi1>, vector<256x1xf32>
      %mul3A = vector.broadcast %select_n3A : vector<256x1xf32> to vector<256x2048xf32>
      %mul3A_12 = arith.mulf %get3A_7, %mul3A : vector<256x2048xf32>
      %convert_element_type3A_13 = arith.truncf %mul3A_12 : vector<256x2048xf32> to vector<256x2048xbf16>
      %mul3A_14 = arith.constant 256 : i32
      %mul3A_15 = arith.muli %arg0, %mul3A_14 : i32
      %swap3A = arith.index_cast %mul3A_15 : i32 to index
      %swap3A_16 = arith.constant 0 : index
      %swap3A_17 = vector.load %arg6[%swap3A, %swap3A_16] : memref<2048x2048xbf16, #tpu.memory_space<vmem>>, vector<256x2048xbf16>
      tpu.vector_store %arg6[%swap3A, %swap3A_16], %convert_element_type3A_13 {strides = array<i32>} : memref<2048x2048xbf16, #tpu.memory_space<vmem>>, vector<256x2048xbf16>,
      %reduce_sum3A_18 = arith.constant dense<0.000000e+00> : vector<2048xf32>
      %reduce_sum3A_19 = vector.multi_reduction <add>, %get3A_7, %reduce_sum3A_18 [0] : vector<256x2048xf32> to vector<2048xf32>
      %broadcast_in_dim3A_20 = vector.shape_cast %reduce_sum3A_19 : vector<2048xf32> to vector<1x2048xf32>
      %broadcast_in_dim3A_21 = vector.shape_cast %broadcast_in_dim3A_20 : vector<1x2048xf32> to vector<1x2048xf32>
      %broadcast_in_dim3A_22 = vector.broadcast %broadcast_in_dim3A_21 : vector<1x2048xf32> to vector<8x2048xf32>
      %eq3A = arith.constant 0 : i32
      %eq3A_23 = arith.cmpi eq, %arg0, %eq3A : i32
      %convert_element_type3A_24 = arith.extui %eq3A_23 : i1 to i32
      %cond3A_25 = arith.constant 0 : i32
      %cond3A_26 = arith.cmpi ne, %convert_element_type3A_24, %cond3A_25 : i32
      scf.if %cond3A_26 {
        %swap3A_48 = arith.constant 0 : index
        %swap3A_49 = arith.constant 0 : index
        %swap3A_50 = vector.load %arg7[%swap3A_48, %swap3A_49] : memref<8x2048xf32, #tpu.memory_space<vmem>>, vector<8x2048xf32>
        tpu.vector_store %arg7[%swap3A_48, %swap3A_49], %broadcast_in_dim3A_22 {strides = array<i32>} : memref<8x2048xf32, #tpu.memory_space<vmem>>, vector<8x2048xf32>,
      } else {
      }
      %gt3A_27 = arith.constant 0 : i32
      %gt3A_28 = arith.cmpi sgt, %arg0, %gt3A_27 : i32
      %convert_element_type3A_29 = arith.extui %gt3A_28 : i1 to i32
      %cond3A_30 = arith.constant 0 : i32
      %cond3A_31 = arith.cmpi ne, %convert_element_type3A_29, %cond3A_30 : i32
      scf.if %cond3A_31 {
        %get3A_48 = arith.constant 0 : index
        %get3A_49 = arith.constant 0 : index
        %get3A_50 = vector.load %arg7[%get3A_48, %get3A_49] : memref<8x2048xf32, #tpu.memory_space<vmem>>, vector<8x2048xf32>
        %add3A = arith.addf %get3A_50, %broadcast_in_dim3A_22 : vector<8x2048xf32>
        %swap3A_51 = arith.constant 0 : index
        %swap3A_52 = arith.constant 0 : index
        %swap3A_53 = vector.load %arg7[%swap3A_51, %swap3A_52] : memref<8x2048xf32, #tpu.memory_space<vmem>>, vector<8x2048xf32>
        tpu.vector_store %arg7[%swap3A_51, %swap3A_52], %add3A {strides = array<i32>} : memref<8x2048xf32, #tpu.memory_space<vmem>>, vector<8x2048xf32>,
      } else {
      }
      %eq3A_32 = arith.constant 7 : i32
      %eq3A_33 = arith.cmpi eq, %arg0, %eq3A_32 : i32
      %convert_element_type3A_34 = arith.extui %eq3A_33 : i1 to i32
      %cond3A_35 = arith.constant 0 : i32
      %cond3A_36 = arith.cmpi ne, %convert_element_type3A_34, %cond3A_35 : i32
      scf.if %cond3A_36 {
        %get3A_48 = arith.constant 0 : index
        %get3A_49 = arith.constant 0 : index
        %get3A_50 = vector.load %arg7[%get3A_48, %get3A_49] : memref<8x2048xf32, #tpu.memory_space<vmem>>, vector<8x2048xf32>
        %gt3A_51 = arith.constant 0.000000e+00 : f32
        %gt3A_52 = vector.broadcast %gt3A_51 : f32 to vector<8x2048xf32>
        %gt3A_53 = arith.cmpf ogt, %get3A_50, %gt3A_52 : vector<8x2048xf32>
        %div3A = arith.constant 1.000000e+00 : f32
        %div3A_54 = vector.broadcast %div3A : f32 to vector<8x2048xf32>
        %div3A_55 = arith.divf %div3A_54, %get3A_50 : vector<8x2048xf32>
        %jit3A_56 = arith.constant 0.000000e+00 : f32
        %broadcast_in_dim3A_57 = vector.broadcast %jit3A_56 : f32 to vector<8x2048xf32>
        %select_n3A_58 = arith.select %gt3A_53, %div3A_55, %broadcast_in_dim3A_57 : vector<8x2048xi1>, vector<8x2048xf32>
        %swap3A_59 = arith.constant 0 : index
        %swap3A_60 = arith.constant 0 : index
        %swap3A_61 = vector.load %arg7[%swap3A_59, %swap3A_60] : memref<8x2048xf32, #tpu.memory_space<vmem>>, vector<8x2048xf32>
        tpu.vector_store %arg7[%swap3A_59, %swap3A_60], %select_n3A_58 {strides = array<i32>} : memref<8x2048xf32, #tpu.memory_space<vmem>>, vector<8x2048xf32>,
      } else {
      }
      %get3A_37 = arith.constant 0 : index
      %get3A_38 = arith.constant 0 : index
      %get3A_39 = vector.load %arg2[%get3A_37, %get3A_38] : memref<256x512xf32, #tpu.memory_space<vmem>>, vector<256x512xf32>
      %get3A_40 = arith.constant 0 : index
      %get3A_41 = arith.constant 0 : index
      %get3A_42 = vector.load %arg3[%get3A_40, %get3A_41] : memref<256x1xf32, #tpu.memory_space<vmem>>, vector<256x1xf32>
      %mul3A_43 = vector.broadcast %get3A_42 : vector<256x1xf32> to vector<256x512xf32>
      %mul3A_44 = arith.mulf %get3A_39, %mul3A_43 : vector<256x512xf32>
      %swap3A_45 = arith.constant 0 : index
      %swap3A_46 = arith.constant 0 : index
      %swap3A_47 = vector.load %arg5[%swap3A_45, %swap3A_46] : memref<256x512xf32, #tpu.memory_space<vmem>>, vector<256x512xf32>
      tpu.vector_store %arg5[%swap3A_45, %swap3A_46], %mul3A_44 {strides = array<i32>} : memref<256x512xf32, #tpu.memory_space<vmem>>, vector<256x512xf32>,
    } else {
    }
    %ge3A = arith.constant 8 : i32
    %ge3A_2 = arith.cmpi sge, %arg0, %ge3A : i32
    %convert_element_type3A_3 = arith.extui %ge3A_2 : i1 to i32
    %cond3A_4 = arith.constant 0 : i32
    %cond3A_5 = arith.cmpi ne, %convert_element_type3A_3, %cond3A_4 : i32
    scf.if %cond3A_5 {
      %sub3A = arith.constant 8 : i32
      %sub3A_6 = arith.subi %arg0, %sub3A : i32
      %jit3A = arith.constant 2 : i32
      %div3A = arith.divsi %sub3A_6, %jit3A : i32
      %sign3A = arith.constant 0 : i32
      %sign3A_7 = arith.cmpi sgt, %sub3A_6, %sign3A : i32
      %sign3A_8 = arith.extui %sign3A_7 : i1 to i32
      %sign3A_9 = arith.constant 0 : i32
      %sign3A_10 = arith.cmpi slt, %sub3A_6, %sign3A_9 : i32
      %sign3A_11 = arith.extui %sign3A_10 : i1 to i32
      %sign3A_12 = arith.subi %sign3A_8, %sign3A_11 : i32
      %sign3A_13 = arith.constant 0 : i32
      %sign3A_14 = arith.cmpi sgt, %jit3A, %sign3A_13 : i32
      %sign3A_15 = arith.extui %sign3A_14 : i1 to i32
      %sign3A_16 = arith.constant 0 : i32
      %sign3A_17 = arith.cmpi slt, %jit3A, %sign3A_16 : i32
      %sign3A_18 = arith.extui %sign3A_17 : i1 to i32
      %sign3A_19 = arith.subi %sign3A_15, %sign3A_18 : i32
      %ne3A = arith.cmpi ne, %sign3A_12, %sign3A_19 : i32
      %rem3A = arith.remsi %sub3A_6, %jit3A : i32
      %ne3A_20 = arith.constant 0 : i32
      %ne3A_21 = arith.cmpi ne, %rem3A, %ne3A_20 : i32
      %and3A = arith.andi %ne3A, %ne3A_21 : i1
      %sub3A_22 = arith.constant 1 : i32
      %sub3A_23 = arith.subi %div3A, %sub3A_22 : i32
      %select_n3A = arith.select %and3A, %sub3A_23, %div3A : i32
      %jit3A_24 = arith.constant 2 : i32
      %eq3A = arith.constant 0 : i32
      %eq3A_25 = arith.cmpi eq, %jit3A_24, %eq3A : i32
      %jit3A_26 = arith.constant 1 : i32
      %select_n3A_27 = arith.select %eq3A_25, %jit3A_26, %jit3A_24 : i32
      %rem3A_28 = arith.remsi %sub3A_6, %select_n3A_27 : i32
      %ne3A_29 = arith.constant 0 : i32
      %ne3A_30 = arith.cmpi ne, %rem3A_28, %ne3A_29 : i32
      %lt3A_31 = arith.constant 0 : i32
      %lt3A_32 = arith.cmpi slt, %rem3A_28, %lt3A_31 : i32
      %lt3A_33 = arith.constant 0 : i32
      %lt3A_34 = arith.cmpi slt, %select_n3A_27, %lt3A_33 : i32
      %ne3A_35 = arith.xori %lt3A_32, %lt3A_34 : i1
      %and3A_36 = arith.andi %ne3A_35, %ne3A_30 : i1
      %add3A = arith.addi %rem3A_28, %select_n3A_27 : i32
      %select_n3A_37 = arith.select %and3A_36, %add3A, %rem3A_28 : i32
      %eq3A_38 = arith.constant 0 : i32
      %eq3A_39 = arith.cmpi eq, %select_n3A_37, %eq3A_38 : i32
      %convert_element_type3A_40 = arith.extui %eq3A_39 : i1 to i32
      %cond3A_41 = arith.constant 0 : i32
      %cond3A_42 = arith.cmpi ne, %convert_element_type3A_40, %cond3A_41 : i32
      scf.if %cond3A_42 {
        %mul3A_52 = arith.constant 1024 : i32
        %mul3A_53 = arith.muli %select_n3A, %mul3A_52 : i32
        %get3A_54 = arith.index_cast %mul3A_53 : i32 to index
        %get3A_55 = arith.constant 0 : index
        %get3A_56 = vector.load %arg6[%get3A_54, %get3A_55] : memref<2048x2048xbf16, #tpu.memory_space<vmem>>, vector<1024x2048xbf16>
        %convert_element_type3A_57 = arith.extf %get3A_56 : vector<1024x2048xbf16> to vector<1024x2048xf32>
        %get3A_58 = arith.constant 0 : index
        %get3A_59 = arith.constant 0 : index
        %get3A_60 = vector.load %arg7[%get3A_58, %get3A_59] : memref<8x2048xf32, #tpu.memory_space<vmem>>, vector<1x2048xf32>
        %mul3A_61 = vector.broadcast %get3A_60 : vector<1x2048xf32> to vector<1024x2048xf32>
        %mul3A_62 = arith.mulf %convert_element_type3A_57, %mul3A_61 : vector<1024x2048xf32>
        %convert_element_type3A_63 = arith.truncf %mul3A_62 : vector<1024x2048xf32> to vector<1024x2048xbf16>
        %swap3A_64 = arith.constant 0 : index
        %swap3A_65 = arith.constant 0 : index
        %swap3A_66 = vector.load %arg8[%swap3A_64, %swap3A_65] : memref<1024x2048xbf16, #tpu.memory_space<vmem>>, vector<1024x2048xbf16>
        tpu.vector_store %arg8[%swap3A_64, %swap3A_65], %convert_element_type3A_63 {strides = array<i32>} : memref<1024x2048xbf16, #tpu.memory_space<vmem>>, vector<1024x2048xbf16>,
      } else {
      }
      %mul3A = arith.constant 1024 : i32
      %mul3A_43 = arith.muli %select_n3A_37, %mul3A : i32
      %get3A = arith.index_cast %mul3A_43 : i32 to index
      %get3A_44 = arith.constant 0 : index
      %get3A_45 = vector.load %arg6[%get3A, %get3A_44] : memref<2048x2048xbf16, #tpu.memory_space<vmem>>, vector<1024x2048xbf16>
      %get3A_46 = arith.constant 0 : index
      %get3A_47 = arith.constant 0 : index
      %get3A_48 = vector.load %arg8[%get3A_46, %get3A_47] : memref<1024x2048xbf16, #tpu.memory_space<vmem>>, vector<1024x2048xbf16>
      %dot_general3A = arith.constant dense<0.000000e+00> : vector<1024x1024xf32>
      %dot_general3A_49 = tpu.matmul %get3A_48, %get3A_45, %dot_general3A {dimension_numbers = #tpu.dot_dimension_numbers<[1], [1], [0], [0], [0, 0, 1, 0], [], []>, transpose_lhs_hint = false} : vector<1024x2048xbf16>, vector<1024x2048xbf16>, vector<1024x1024xf32> -> vector<1024x1024xf32>
      %swap3A = arith.constant 0 : index
      %swap3A_50 = arith.constant 0 : index
      %swap3A_51 = vector.load %arg4[%swap3A, %swap3A_50] : memref<1024x1024xf32, #tpu.memory_space<vmem>>, vector<1024x1024xf32>
      tpu.vector_store %arg4[%swap3A, %swap3A_50], %dot_general3A_49 {strides = array<i32>} : memref<1024x1024xf32, #tpu.memory_space<vmem>>, vector<1024x1024xf32>,
    } else {
    }
    return
  }
  func.func @transform_0(%arg0: i32) -> (i32, i32) {
    %min3A = arith.constant 7 : i32
    %min3A_0 = arith.minsi %arg0, %min3A : i32
    %c0_i32 = arith.constant 0 : i32
    %c0_i32_1 = arith.constant 0 : i32
    return %min3A_0, %c0_i32 : i32, i32
  }
  func.func @transform_1(%arg0: i32) -> (i32, i32) {
    %min3A = arith.constant 7 : i32
    %min3A_0 = arith.minsi %arg0, %min3A : i32
    %c0_i32 = arith.constant 0 : i32
    %c0_i32_1 = arith.constant 0 : i32
    return %min3A_0, %c0_i32 : i32, i32
  }
  func.func @transform_2(%arg0: i32) -> (i32, i32) {
    %min3A = arith.constant 7 : i32
    %min3A_0 = arith.minsi %arg0, %min3A : i32
    %c0_i32 = arith.constant 0 : i32
    %c0_i32_1 = arith.constant 0 : i32
    return %min3A_0, %c0_i32 : i32, i32
  }
  func.func @transform_3(%arg0: i32) -> (i32, i32) {
    %sub3A = arith.constant 8 : i32
    %sub3A_0 = arith.subi %arg0, %sub3A : i32
    %max3A = arith.constant 0 : i32
    %max3A_1 = arith.maxsi %sub3A_0, %max3A : i32
    %jit3A = arith.constant 2 : i32
    %div3A = arith.divsi %max3A_1, %jit3A : i32
    %sign3A = arith.constant 0 : i32
    %sign3A_2 = arith.cmpi sgt, %max3A_1, %sign3A : i32
    %sign3A_3 = arith.extui %sign3A_2 : i1 to i32
    %sign3A_4 = arith.constant 0 : i32
    %sign3A_5 = arith.cmpi slt, %max3A_1, %sign3A_4 : i32
    %sign3A_6 = arith.extui %sign3A_5 : i1 to i32
    %sign3A_7 = arith.subi %sign3A_3, %sign3A_6 : i32
    %sign3A_8 = arith.constant 0 : i32
    %sign3A_9 = arith.cmpi sgt, %jit3A, %sign3A_8 : i32
    %sign3A_10 = arith.extui %sign3A_9 : i1 to i32
    %sign3A_11 = arith.constant 0 : i32
    %sign3A_12 = arith.cmpi slt, %jit3A, %sign3A_11 : i32
    %sign3A_13 = arith.extui %sign3A_12 : i1 to i32
    %sign3A_14 = arith.subi %sign3A_10, %sign3A_13 : i32
    %ne3A = arith.cmpi ne, %sign3A_7, %sign3A_14 : i32
    %rem3A = arith.remsi %max3A_1, %jit3A : i32
    %ne3A_15 = arith.constant 0 : i32
    %ne3A_16 = arith.cmpi ne, %rem3A, %ne3A_15 : i32
    %and3A = arith.andi %ne3A, %ne3A_16 : i1
    %sub3A_17 = arith.constant 1 : i32
    %sub3A_18 = arith.subi %div3A, %sub3A_17 : i32
    %select_n3A = arith.select %and3A, %sub3A_18, %div3A : i32
    %jit3A_19 = arith.constant 2 : i32
    %eq3A = arith.constant 0 : i32
    %eq3A_20 = arith.cmpi eq, %jit3A_19, %eq3A : i32
    %jit3A_21 = arith.constant 1 : i32
    %select_n3A_22 = arith.select %eq3A_20, %jit3A_21, %jit3A_19 : i32
    %rem3A_23 = arith.remsi %max3A_1, %select_n3A_22 : i32
    %ne3A_24 = arith.constant 0 : i32
    %ne3A_25 = arith.cmpi ne, %rem3A_23, %ne3A_24 : i32
    %lt3A = arith.constant 0 : i32
    %lt3A_26 = arith.cmpi slt, %rem3A_23, %lt3A : i32
    %lt3A_27 = arith.constant 0 : i32
    %lt3A_28 = arith.cmpi slt, %select_n3A_22, %lt3A_27 : i32
    %ne3A_29 = arith.xori %lt3A_26, %lt3A_28 : i1
    %and3A_30 = arith.andi %ne3A_29, %ne3A_25 : i1
    %add3A = arith.addi %rem3A_23, %select_n3A_22 : i32
    %select_n3A_31 = arith.select %and3A_30, %add3A, %rem3A_23 : i32
    %c0_i32 = arith.constant 0 : i32
    return %select_n3A, %select_n3A_31 : i32, i32
  }
  func.func @transform_4(%arg0: i32) -> (i32, i32) {
    %min3A = arith.constant 7 : i32
    %min3A_0 = arith.minsi %arg0, %min3A : i32
    %c0_i32 = arith.constant 0 : i32
    %c0_i32_1 = arith.constant 0 : i32
    return %min3A_0, %c0_i32 : i32, i32
  }
}

</mosaic_0001>

<sc_bundles>
// kernel: kernel.6.cloned.1.call-start
scs
__scs_entry_jumppad:
0x0: {  	(pc) =	sbr.rel $0x88, $3  }
0x1: {  	(tag) =	ssettag $0x0;
	lr =	simm.s32 $0x1  }
0x2: {  	[smem:$0x3F9D] =	sst lr;
	_ =	strace $0xD0000000  }
0x3: {  	_ = 	snop  }
0x4: {  	_ = 	snop  }
0x5: {  	_ = 	snop  }
0x6: {  	_ = 	snop  }
0x7: {  	_ = 	snop  }
__scs_overlays_trampoline_lowered:
0x8: {  	[smem:$0x3FAC] =	sst s0  }
0x9: {  	[smem:$0x3FAD] =	sst s1  }
0xa: {  	[smem:$0x3FAE] =	sst s2  }
0xb: {  	[smem:$0x3FAF] =	sst s3  }
0xc: {  	[smem:$0x3FB0] =	sst s4  }
0xd: {  	[smem:$0x3FB1] =	sst s5  }
0xe: {  	[smem:$0x3FB2] =	sst s6  }
0xf: {  	[smem:$0x3FB3] =	sst s7  }
0x10: {  	[smem:$0x3FB4] =	sst s8  }
0x11: {  	[smem:$0x3FB5] =	sst s9;
	s0 =	simm.s32 @!p0 $0x0  }
0x12: {  	s1 =	sld [smem:$0x3F9B];
	s0 =	simm.s32 @p0 $0x1  }
0x13: {  	[smem:$0x3FB6] =	sst s0;
	s0 =	simm.s32 @!p1 $0x0  }
0x14: {  	s2 =	sld [smem:$0x3F9A];
	s0 =	simm.s32 @p1 $0x1  }
0x15: {  	[smem:$0x3FB7] =	sst s0;
	s0 =	simm.s32 @!p2 $0x0  }
0x16: {  	s3 =	sld [smem:$0x3FDB];
	s0 =	simm.s32 @p2 $0x1  }
0x17: {  	s4 =	simm.s32 $0x1BF5;
	[smem:$0x3FB9] =	sst s0  }
0x18: {  	s0 =	sld [smem:$0x3F9C];
	_ =	swait.ge [sflag:s4], $0x0  }
0x19: {  	s7 =	sld [smem:$0x3F9D]  }
0x1a: {  	s8 =	sadd.s32 $0xFFFFE003, lr  }
0x1b: {  	s9 =	sadd.s32 $0xFFFFFEF7, lr;
	s5 =	simm.s32 $0xFFFFFFFF;
	p2 =	slt.u32 s8, $0xFFFFF086  }
0x1c: {  	p1 =	slt.u32 s9, $0xF7A;
	s5 =	simm.s32 @!p2 $0x0  }
0x1d: {  	s5 =	simm.s32 @p1 $0x1;
	p0 =	seq.s32 s7, s2  }
0x1e: {  	s7 =	smul.u32 @!p0 $0xF7A, s2;
	p2 =	seq.s32 @!p0 s5, $0x0  }
0x1f: {  	s9 =	smul.u32 $0xF7A, s1;
	s8 =	simm.s32 @!p0 $0x1BF5;
	p2 =	por !p2, p0  }
0x20: {  	[sflag:s8] =	ssyncset.s32 @!p0 $0xFFFFF086;
	s6 =	sadd.s32 @!p0 s3, s7;
	s7 =	simm.s32 @!p0 $0x108  }
0x21: {  	s3 =	sadd.s32 s3, s9;
	s6 =	sadd.s32 @!p0 $0x88, s6;
	s7 =	simm.s32 @p2 $0x1082  }
0x22: {  	[simem:s7], [sflag:s8] =	dma.local @!p0 [hbm:s6], $0xF7A  }
0x23: {  	s9 =	sor.u32 $0xD0000000, s2;
	s6 =	simm.s32 $0x108;
	_ =	swait.ge @!p0 [sflag:s8], $0x0  }
0x24: {  	s3 =	sadd.s32 $0x88, s3;
	s6 =	simm.s32 @!p1 $0x1082;
	[sflag:s4] =	ssyncset.s32 $0xFFFFF086  }
0x25: {  	[simem:s6], [sflag:s4] =	dma.local [hbm:s3], $0xF7A  }
0x26: {  	[smem:$0x3F9D] =	sst s1;
	(tag) =	ssettag s2;
	_ =	strace s9  }
0x27: {  	s1 =	sld [smem:$0x3FAD]  }
0x28: {  	s2 =	sld [smem:$0x3FAE]  }
0x29: {  	s4 =	sld [smem:$0x3FB0]  }
0x2a: {  	p0 =	seq.s32 s5, $0x0;
	s5 =	sld [smem:$0x3FB1]  }
0x2b: {  	s6 =	sld [smem:$0x3FB2]  }
0x2c: {  	s7 =	sld [smem:$0x3FB3]  }
0x2d: {  	s3 =	simm.s32 $0x108;
	s8 =	sld [smem:$0x3FB4]  }
0x2e: {  	s3 =	simm.s32 @!p0 $0x1082;
	s9 =	sld [smem:$0x3FB5]  }
0x2f: {  	lr =	sadd.s32 s0, s3;
	s0 =	sld [smem:$0x3FAC]  }
0x30: {  	s3 =	sld [smem:$0x3FAF]  }
0x31: {  	[smem:$0x3FB8] =	sst s10  }
0x32: {  	s10 =	sld [smem:$0x3FB6];
	_ =	sdelay $0x3  }
0x33: {  	p0 =	seq.s32 s10, $0x1;
	s10 =	sld [smem:$0x3FB8];
	_ =	sdelay $0x3  }
0x34: {  	[smem:$0x3FB8] =	sst s10  }
0x35: {  	s10 =	sld [smem:$0x3FB7];
	_ =	sdelay $0x3  }
0x36: {  	p1 =	seq.s32 s10, $0x1;
	s10 =	sld [smem:$0x3FB8];
	_ =	sdelay $0x3  }
0x37: {  	[smem:$0x3FB8] =	sst s10  }
0x38: {  	s10 =	sld [smem:$0x3FB9]  }
0x39: {  	_ = 	snop;
	(pc) =	sbr.ind lr, $3  }
0x3a: {  	_ = 	snop  }
0x3b: {  	_ = 	snop  }
0x3c: {  	p2 =	seq.s32 s10, $0x1;
	s10 =	sld [smem:$0x3FB8]  }
0x3d: {  	_ =	shalt  }
0x3e: {  	_ =	shalt  }
0x3f: {  	_ =	shalt  }
0x40: {  	_ =	shalt  }
0x41: {  	_ =	shalt  }
0x42: {  	_ =	shalt  }
0x43: {  	_ =	shalt  }
0x44: {  	_ =	shalt  }
0x45: {  	_ =	shalt  }
0x46: {  	_ =	shalt  }
0x47: {  	_ =	shalt  }
0x48: {  	_ =	shalt  }
0x49: {  	_ =	shalt  }
0x4a: {  	_ =	shalt  }
0x4b: {  	_ =	shalt  }
0x4c: {  	_ =	shalt  }
0x4d: {  	_ =	shalt  }
0x4e: {  	_ =	shalt  }
0x4f: {  	_ =	shalt  }
0x50: {  	_ =	shalt  }
0x51: {  	_ =	shalt  }
0x52: {  	_ =	shalt  }
0x53: {  	_ =	shalt  }
0x54: {  	_ =	shalt  }
0x55: {  	_ =	shalt  }
0x56: {  	_ =	shalt  }
0x57: {  	_ =	shalt  }
0x58: {  	_ =	shalt  }
0x59: {  	_ =	shalt  }
0x5a: {  	_ =	shalt  }
0x5b: {  	_ =	shalt  }
0x5c: {  	_ =	shalt  }
0x5d: {  	_ =	shalt  }
0x5e: {  	_ =	shalt  }
0x5f: {  	_ =	shalt  }
0x60: {  	_ =	shalt  }
0x61: {  	_ =	shalt  }
0x62: {  	_ =	shalt  }
0x63: {  	_ =	shalt  }
0x64: {  	_ =	shalt  }
0x65: {  	_ =	shalt  }
0x66: {  	_ =	shalt  }
0x67: {  	_ =	shalt  }
0x68: {  	_ =	shalt  }
0x69: {  	_ =	shalt  }
0x6a: {  	_ =	shalt  }
0x6b: {  	_ =	shalt  }
0x6c: {  	_ =	shalt  }
0x6d: {  	_ =	shalt  }
0x6e: {  	_ =	shalt  }
0x6f: {  	_ =	shalt  }
0x70: {  	_ =	shalt  }
0x71: {  	_ =	shalt  }
0x72: {  	_ =	shalt  }
0x73: {  	_ =	shalt  }
0x74: {  	_ =	shalt  }
0x75: {  	_ =	shalt  }
0x76: {  	_ =	shalt  }
0x77: {  	_ =	shalt  }
0x78: {  	_ =	shalt  }
0x79: {  	_ =	shalt  }
0x7a: {  	_ =	shalt  }
0x7b: {  	_ =	shalt  }
0x7c: {  	_ =	shalt  }
0x7d: {  	_ =	shalt  }
0x7e: {  	_ =	shalt  }
0x7f: {  	_ =	shalt  }
0x80: {  	_ =	shalt  }
0x81: {  	_ =	shalt  }
0x82: {  	_ =	shalt  }
0x83: {  	_ =	shalt  }
0x84: {  	_ =	shalt  }
0x85: {  	_ =	shalt  }
0x86: {  	_ =	shalt  }
0x87: {  	_ =	shalt  }
.Lfunc_end0:
.L_simem_size_0:
called_computation_lowered:
.L_overlay_start_0:
0x88: {  	s2 =	sld [smem:$0x3FD9]  }
0x89: {  	s3 =	sld [smem:$0x3FFE];
	_ =	sdelay $0x1  }
0x8a: {  	s1 =	srdreg.scid  }
0x8b: {  	s0 =	sand.u32 $0x1, s1  }
0x8c: {  	s15 =	sshll.u32 s0, $0xA;
	s2 =	sadd.s32 s3, s2  }
0x8d: {  	s2 =	sadd.s32 s2, s15  }
0x8e: {  	[smem:$0x3FC4] =	sst s2  }
0x8f: {  	_ = 	snop  }
0x90: {  	s2 =	sld [smem:$0x3FD0];
	_ =	sdelay $0x1  }
0x91: {  	s16 =	sld [smem:$0x3FC9]  }
0x92: {  	s5 =	simm.s32 $0xA;
	s6 =	simm.s32 $0x10;
	s4 =	sld [smem:$0x3FC8]  }
0x93: {  	[smem:s6], [sflag:s5] =	dma.local [hbm:s2], $0x1  }
0x94: {  	_ =	swait.eq [sflag:s5], $0x1  }
0x95: {  	s17 =	sld [smem:$0x10];
	[sflag:s5] =	ssyncset.done $0x0  }
0x96: {  	s18 =	sld [smem:$0x12];
	[sflag:s5] =	ssyncadd.s32 $0xFFFFFFFF  }
0x97: {  	s19 =	sld [smem:$0x13];
	(tm) =	ssettm $0x1  }
0x98: {  	s7 =	sld [smem:$0x3FFB];
	_ =	sdelay $0x3  }
0x99: {  	_ =	strace s7  }
0x9a: {  	s7 =	sld [smem:$0x3FFC];
	_ =	sdelay $0x3  }
0x9b: {  	_ =	strace s7  }
0x9c: {  	s7 =	sld [smem:$0x3FFD];
	_ =	sdelay $0x3  }
0x9d: {  	_ =	strace s7  }
0x9e: {  	_ =	strace $0x8FFFFFFF  }
0x9f: {  	s20 =	sld [smem:$0x3FDB];
	_ =	sdelay $0x1  }
0xa0: {  	s8 =	simm.s32 $_scs_section_size  }
0xa1: {  	s9 =	simm.s32 $_size__tile_overlayer_lowered;
	s10 =	simm.s32 $_tile_overlayer_lowered  }
0xa2: {  	s23 =	simm.s32 $0x1BFF;
	s22 =	sshll.u32 s10, $0x1;
	s7 =	sadd.s32 s8, s20  }
0xa3: {  	s11 =	simm.s32 $0x0;
	s21 =	sshll.u32 s9, $0x1;
	s9 =	sadd.s32 s22, s7  }
0xa4: {  	[timem:s11], [sflag:s23] =	dma.local [hbm:s9], s21  }
0xa5: {  	_ =	swait.ge [sflag:s23], s21  }
0xa6: {  	s8 =	ssub.s32 $0x0, s21;
	[sflag:s23] =	ssyncset.done $0x0  }
0xa7: {  	[sflag:s23] =	ssyncadd.s32 s8;
	_ =	sdelay $0x1  }
0xa8: {  	s24 =	simm.s32 $0x1B8B  }
0xa9: {  	_ =	swait.ge [sflag:s24], $0x1  }
0xaa: {  	[sflag:s24] =	ssyncset.done $0x0  }
0xab: {  	s25 =	simm.s32 $0x1B8E;
	[sflag:s24] =	ssyncadd.s32 $0xFFFFFFFF  }
0xac: {  	s26 =	simm.s32 $execute0_lowered;
	[smem:$0x3FD2] =	sst s25  }
0xad: {  	s8 =	sshll.u32 s26, $0x1;
	_ =	strace $0x80000046;
	[dreg:$0x1] =	wrdreg $0xFFFFFFFF  }
0xae: {  	s28 =	simm.s32 $_size_execute0_lowered;
	s7 =	sadd.s32 s7, s8;
	[dreg:$0x0] =	wrdreg $0x0  }
0xaf: {  	s8 =	sshll.u32 s28, $0x1;
	[dreg:$0x2] =	wrdreg s7  }
0xb0: {  	[dreg:$0x3] =	wrdreg s8  }
0xb1: {  	[dreg:$0x4] =	wrdreg $0xC0  }
0xb2: {  	_ =	task [dreg:s11], $0x5FFFF  }
0xb3: {  	[dreg:$0x1] =	wrdreg $0xFFFFFFFF  }
0xb4: {  	[dreg:$0x0] =	wrdreg $0x60  }
0xb5: {  	[dreg:$0x2] =	wrdreg s16  }
0xb6: {  	[dreg:$0x3] =	wrdreg s4  }
0xb7: {  	[dreg:$0x4] =	wrdreg s19  }
0xb8: {  	[dreg:$0x5] =	wrdreg s17  }
0xb9: {  	[dreg:$0x6] =	wrdreg s18  }
0xba: {  	[dreg:$0x7] =	wrdreg $0x9  }
0xbb: {  	_ =	task.clear_ibuf [dreg:s11], $0x8FFFF;
	_ =	strace $0x90000046  }
0xbc: {  	s29 =	simm.s32 $0x9;
	_ =	strace $0x80000048  }
0xbd: {  	_ =	swait.ge [sflag:s29], $0x1  }
0xbe: {  	[sflag:s29] =	ssyncadd.s32 $0xFFFFFFFF  }
0xbf: {  	_ =	strace $0x90000048  }
0xc0: {  	_ =	sfence  }
0xc1: {  	s30 =	sld [smem:$0x0];
	_ =	sdelay $0x2  }
0xc2: {  	s31 =	sshll.u32 s1, $0xD;
	s1 =	sshrl.u32 s1, $0x2  }
0xc3: {  	s3 =	sand.u32 $0x4000, s31;
	s1 =	sadd.s32 s1, s30  }
0xc4: {  	s0 =	sor.u32 s3, s0;
	s1 =	sshll.u32 s1, $0x11  }
0xc5: {  	s0 =	sor.u32 s1, s0  }
0xc6: {  	s0 =	sadd.s32 $0x8F2B, s0  }
0xc7: {  	[sflag:s0] =	ssyncadd.remote.s32 $0x1  }
0xc8: {  	_ =	sfence.sel $0xFFFF  }
0xc9: {  	[dreg:$0x0] =	wrdreg $0xFFFFFFFF;
	(pc) =	sbr.abs _section_cstart, $3  }
0xca: {  	[dreg:$0x1] =	wrdreg $0xFFFFFFFF  }
0xcb: {  	_ =	task.clear_ibuf [dreg:s11], $0x2FFFF;
	_ =	strace $0x9FFFFFFF  }
0xcc: {  	(tm) =	ssettm $0x7FFFFFFF  }
0xcd: {  	_ =	shalt  }
tec
execute0_lowered:
.L_overlay_start_1:
0x0: {  	(tag) =	ssettag $0x1  }
0x1: {  	s1 =	rddreg [dreg:$0x0]  }
0x2: {  	s2 =	rddreg [dreg:$0x1]  }
0x3: {  	s0 =	rddreg [dreg:$0x2]  }
0x4: {  	s3 =	rddreg [dreg:$0x3]  }
0x5: {  	s11 =	rddreg [dreg:$0x4];
	s4 =	srdreg.scid  }
0x6: {  	s6 =	stileid.u32;
	s26 =	simm.s32 $0x80;
	s28 =	simm.s32 $0x11100  }
0x7: {  	s29 =	simm.s32 $0x11900;
	s30 =	simm.s32 $0x12100;
	s31 =	simm.s32 $0x12900  }
0x8: {  	s16 =	simm.s32 $0x900;
	s17 =	simm.s32 $0x1100;
	s18 =	simm.s32 $0x1900  }
0x9: {  	s15 =	simm.s32 $0x3900;
	s5 =	sand.u32 $0x1, s4;
	s4 =	simm.s32 $0x0  }
0xa: {  	s6 =	sshll.u32 s6, $0x7;
	s9 =	sadd.s32 $0x400, s1;
	s10 =	sadd.s32 $0x500, s1  }
0xb: {  	s7 =	sshll.u32 s5, $0x6;
	[smem:$0x7FF] =	sst s4;
	s5 =	ssub.s32 $0x2, s5  }
0xc: {  	s12 =	sor.u32 s7, s6;
	_ =	strace $0x80000047;
	s8 =	sshrl.u32 s5, $0x1  }
0xd: {  	s7 =	sadd.s32 $0x200, s1;
	[dreg:$0xc] =	wrdreg s26;
	s6 =	sshrl.u32 s12, $0x3  }
0xe: {  	s13 =	sor.u32 $0x20, s12;
	s14 =	ssub.s32 s5, s8;
	s5 =	sadd.s32 $0x100, s2  }
0xf: {  	s8 =	sadd.s32 $0x300, s1;
	s20 =	sshll.u32 s12, $0x6;
	s12 =	sshll.u32 s12, $0x8  }
0x10: {  	s6 =	sadd.s32 s0, s6;
	s19 =	sshrl.u32 s13, $0x3;
	s21 =	sadd.s32 s3, s12  }
0x11: {  	s22 =	sshll.u32 s13, $0x6;
	s24 =	sshll.u32 s13, $0x8;
	s12 =	sadd.s32 $0x700, s1  }
0x12: {  	s13 =	smax.u32 s14, $0x1;
	s14 =	simm.s32 $0x3;
	[dreg:$0x6] =	wrdreg s6  }
0x13: {  	s0 =	sadd.s32 s0, s19;
	s6 =	sadd.s32 $0x100, s1;
	[dreg:$0x9] =	wrdreg s21  }
0x14: {  	s23 =	sadd.s32 s11, s22;
	s25 =	sadd.s32 s3, s24;
	s22 =	simm.s32 $0x2  }
0x15: {  	s24 =	simm.s32 $0x1;
	s3 =	simm.s32 $0x13900;
	[dreg:$0x7] =	wrdreg s0  }
0x16: {  	v2 =	vlaneseq.u32;
	s19 =	simm.s32 $0x2100;
	s21 =	simm.s32 $0x3100;
	[dreg:$0xa] =	wrdreg s23  }
0x17: {  	vm0 =	vmmov $0xffff;
	v1 =	vshrl.u32 v2, $0x3;
	s0 =	sadd.s32 s11, s20;
	s11 =	sadd.s32 $0x600, s1;
	[dreg:$0xb] =	wrdreg s25  }
0x18: {  	v0 =	vand.u32 $0x7, v2;
	v2 =	vor.u32 $0x8, v2;
	v1 =	vmul.u32 $0x8, v1;
	s23 =	simm.s32 $0x10100;
	s20 =	simm.s32 $0x2900;
	[dreg:$0x8] =	wrdreg s0  }
.LBB2_1:
0x19: {  	s25 =	rddreg [dreg:$0x6]  }
0x1a: {  	[tilespmem:s4], [sflag:$0x3] =	stream.linear.gather [hbm4b:s25+s4], $0x20, $0x38;
	[tilespmem:$0x14100] =	vst v63  }
0x1b: {  	_ =	swait.ge [sflag:s14], $0x20  }
0x1c: {  	s2 =	rddreg [dreg:$0x7];
	[sflag:s14] =	ssyncset.done $0x0  }
0x1d: {  	s26 =	rddreg [dreg:$0xc];
	[sflag:s14] =	ssyncadd.s32 $0xFFFFFFE0  }
0x1e: {  	[tilespmem:s26], [sflag:$0x3] =	stream.linear.gather [hbm4b:s2+s4], $0x20, $0x38;
	[tilespmem:$0x14100] =	vst v63  }
0x1f: {  	_ =	swait.ge [sflag:s14], $0x20  }
0x20: {  	[sflag:s14] =	ssyncset.done $0x0  }
0x21: {  	[sflag:s14] =	ssyncadd.s32 $0xFFFFFFE0  }
0x22: {  	v3 =	vld [tilespmem:$0x0];
	_ =	sdelay $0x4  }
0x23: {  	v4 =	vshll.u32 v3, $0x2  }
0x24: {  	v3 =	vand.u32 $0x7, v3;
	v4 =	vand.u32 $0xFFFFFFE0, v4  }
0x25: {  	v3 =	vor.u32 v3, v4  }
0x26: {  	v4 =	vperm.xlane v3, v0;
	_ =	sdelay $0x1  }
0x27: {  	v4 =	vadd.s32 v1, v4;
	_ =	sdelay $0x1  }
0x28: {  	v3 =	vperm.xlane v3, v2;
	_ =	sdelay $0x1  }
0x29: {  	s0 =	rddreg [dreg:$0x1];
	v3 =	vadd.s32 v1, v3  }
0x2a: {  	[tilespmem:s23], [sflag:$0x2] =	stream.indirect_vreg.gather [hbm4b:s0+s4], $0x80, v4, vm0, $0xb8;
	[tilespmem:$0x14100] =	vst v63  }
0x2b: {  	s26 =	simm.s32 $0x10900  }
0x2c: {  	[tilespmem:s26], [sflag:$0x2] =	stream.indirect_vreg.gather [hbm4b:s5+s4], $0x80, v4, vm0, $0xb8;
	[tilespmem:$0x14100] =	vst v63  }
0x2d: {  	_ = 	snop  }
0x2e: {  	[tilespmem:s28], [sflag:$0x2] =	stream.indirect_vreg.gather [hbm4b:s0+s4], $0x80, v3, vm0, $0xb8;
	[tilespmem:$0x14100] =	vst v63  }
0x2f: {  	_ = 	snop  }
0x30: {  	[tilespmem:s29], [sflag:$0x2] =	stream.indirect_vreg.gather [hbm4b:s5+s4], $0x80, v3, vm0, $0xb8;
	[tilespmem:$0x14100] =	vst v63  }
0x31: {  	v3 =	vld [tilespmem:$0x10];
	_ =	sdelay $0x4  }
0x32: {  	v57 =	vshll.u32 v3, $0x2  }
0x33: {  	v3 =	vand.u32 $0x7, v3;
	v4 =	vand.u32 $0xFFFFFFE0, v57  }
0x34: {  	v3 =	vor.u32 v3, v4  }
0x35: {  	v4 =	vperm.xlane v3, v0;
	_ =	sdelay $0x1  }
0x36: {  	v4 =	vadd.s32 v1, v4;
	_ =	sdelay $0x1  }
0x37: {  	v3 =	vperm.xlane v3, v2;
	_ =	sdelay $0x1  }
0x38: {  	v3 =	vadd.s32 v1, v3  }
0x39: {  	[tilespmem:s30], [sflag:$0x2] =	stream.indirect_vreg.gather [hbm4b:s0+s4], $0x80, v4, vm0, $0xb8;
	[tilespmem:$0x14100] =	vst v63  }
0x3a: {  	_ = 	snop  }
0x3b: {  	[tilespmem:s31], [sflag:$0x2] =	stream.indirect_vreg.gather [hbm4b:s5+s4], $0x80, v4, vm0, $0xb8;
	[tilespmem:$0x14100] =	vst v63  }
0x3c: {  	s2 =	simm.s32 $0x13100  }
0x3d: {  	[tilespmem:s2], [sflag:$0x2] =	stream.indirect_vreg.gather [hbm4b:s0+s4], $0x80, v3, vm0, $0xb8;
	[tilespmem:$0x14100] =	vst v63  }
0x3e: {  	_ = 	snop  }
0x3f: {  	[tilespmem:s3], [sflag:$0x2] =	stream.indirect_vreg.gather [hbm4b:s5+s4], $0x80, v3, vm0, $0xb8;
	[tilespmem:$0x14100] =	vst v63  }
0x40: {  	v3 =	vld [tilespmem:$0x0];
	_ =	sdelay $0x4  }
0x41: {  	v58 =	vshll.u32 v3, $0x4  }
0x42: {  	v3 =	vand.u32 $0x7, v3;
	v4 =	vand.u32 $0xFFFFFF80, v58  }
0x43: {  	v3 =	vor.u32 v3, v4  }
0x44: {  	v4 =	vperm.xlane v3, v0;
	_ =	sdelay $0x1  }
0x45: {  	v4 =	vadd.s32 v1, v4;
	_ =	sdelay $0x3  }
0x46: {  	s2 =	simm.s32 $0x100  }
0x47: {  	[tilespmem:s2], [sflag:$0x1] =	stream.indirect_vreg.gather [hbm4b:s1+s4], $0x80, v4, vm0, $0xb8;
	[tilespmem:$0x14100] =	vst v63  }
0x48: {  	_ = 	snop  }
0x49: {  	[tilespmem:s16], [sflag:$0x1] =	stream.indirect_vreg.gather [hbm4b:s6+s4], $0x80, v4, vm0, $0xb8;
	[tilespmem:$0x14100] =	vst v63  }
0x4a: {  	_ = 	snop  }
0x4b: {  	[tilespmem:s17], [sflag:$0x1] =	stream.indirect_vreg.gather [hbm4b:s7+s4], $0x80, v4, vm0, $0xb8;
	[tilespmem:$0x14100] =	vst v63  }
0x4c: {  	_ = 	snop  }
0x4d: {  	[tilespmem:s18], [sflag:$0x1] =	stream.indirect_vreg.gather [hbm4b:s8+s4], $0x80, v4, vm0, $0xb8;
	[tilespmem:$0x14100] =	vst v63  }
0x4e: {  	_ = 	snop  }
0x4f: {  	[tilespmem:s19], [sflag:$0x1] =	stream.indirect_vreg.gather [hbm4b:s9+s4], $0x80, v4, vm0, $0xb8;
	[tilespmem:$0x14100] =	vst v63  }
0x50: {  	v3 =	vperm.xlane v3, v2  }
0x51: {  	[tilespmem:s20], [sflag:$0x1] =	stream.indirect_vreg.gather [hbm4b:s10+s4], $0x80, v4, vm0, $0xb8;
	[tilespmem:$0x14100] =	vst v63  }
0x52: {  	v3 =	vadd.s32 v1, v3  }
0x53: {  	[tilespmem:s21], [sflag:$0x1] =	stream.indirect_vreg.gather [hbm4b:s11+s4], $0x80, v4, vm0, $0xb8;
	[tilespmem:$0x14100] =	vst v63  }
0x54: {  	_ = 	snop  }
0x55: {  	[tilespmem:s15], [sflag:$0x1] =	stream.indirect_vreg.gather [hbm4b:s12+s4], $0x80, v4, vm0, $0xb8;
	[tilespmem:$0x14100] =	vst v63  }
0x56: {  	s25 =	simm.s32 $0x4100  }
0x57: {  	[tilespmem:s25], [sflag:$0x1] =	stream.indirect_vreg.gather [hbm4b:s1+s4], $0x80, v3, vm0, $0xb8;
	[tilespmem:$0x14100] =	vst v63  }
0x58: {  	s25 =	simm.s32 $0x4900  }
0x59: {  	[tilespmem:s25], [sflag:$0x1] =	stream.indirect_vreg.gather [hbm4b:s6+s4], $0x80, v3, vm0, $0xb8;
	[tilespmem:$0x14100] =	vst v63  }
0x5a: {  	s25 =	simm.s32 $0x5100  }
0x5b: {  	[tilespmem:s25], [sflag:$0x1] =	stream.indirect_vreg.gather [hbm4b:s7+s4], $0x80, v3, vm0, $0xb8;
	[tilespmem:$0x14100] =	vst v63  }
0x5c: {  	s25 =	simm.s32 $0x5900  }
0x5d: {  	[tilespmem:s25], [sflag:$0x1] =	stream.indirect_vreg.gather [hbm4b:s8+s4], $0x80, v3, vm0, $0xb8;
	[tilespmem:$0x14100] =	vst v63  }
0x5e: {  	s25 =	simm.s32 $0x6100  }
0x5f: {  	[tilespmem:s25], [sflag:$0x1] =	stream.indirect_vreg.gather [hbm4b:s9+s4], $0x80, v3, vm0, $0xb8;
	[tilespmem:$0x14100] =	vst v63  }
0x60: {  	s25 =	simm.s32 $0x6900  }
0x61: {  	[tilespmem:s25], [sflag:$0x1] =	stream.indirect_vreg.gather [hbm4b:s10+s4], $0x80, v3, vm0, $0xb8;
	[tilespmem:$0x14100] =	vst v63  }
0x62: {  	s25 =	simm.s32 $0x7100  }
0x63: {  	[tilespmem:s25], [sflag:$0x1] =	stream.indirect_vreg.gather [hbm4b:s11+s4], $0x80, v3, vm0, $0xb8;
	[tilespmem:$0x14100] =	vst v63  }
0x64: {  	s25 =	simm.s32 $0x7900  }
0x65: {  	[tilespmem:s25], [sflag:$0x1] =	stream.indirect_vreg.gather [hbm4b:s12+s4], $0x80, v3, vm0, $0xb8;
	[tilespmem:$0x14100] =	vst v63  }
0x66: {  	v3 =	vld [tilespmem:$0x10];
	_ =	sdelay $0x4  }
0x67: {  	v59 =	vshll.u32 v3, $0x4  }
0x68: {  	v3 =	vand.u32 $0x7, v3;
	v4 =	vand.u32 $0xFFFFFF80, v59  }
0x69: {  	v3 =	vor.u32 v3, v4  }
0x6a: {  	v4 =	vperm.xlane v3, v0;
	_ =	sdelay $0x1  }
0x6b: {  	v4 =	vadd.s32 v1, v4;
	_ =	sdelay $0x3  }
0x6c: {  	s25 =	simm.s32 $0x8100  }
0x6d: {  	[tilespmem:s25], [sflag:$0x1] =	stream.indirect_vreg.gather [hbm4b:s1+s4], $0x80, v4, vm0, $0xb8;
	[tilespmem:$0x14100] =	vst v63  }
0x6e: {  	s25 =	simm.s32 $0x8900  }
0x6f: {  	[tilespmem:s25], [sflag:$0x1] =	stream.indirect_vreg.gather [hbm4b:s6+s4], $0x80, v4, vm0, $0xb8;
	[tilespmem:$0x14100] =	vst v63  }
0x70: {  	s25 =	simm.s32 $0x9100  }
0x71: {  	[tilespmem:s25], [sflag:$0x1] =	stream.indirect_vreg.gather [hbm4b:s7+s4], $0x80, v4, vm0, $0xb8;
	[tilespmem:$0x14100] =	vst v63  }
0x72: {  	s25 =	simm.s32 $0x9900  }
0x73: {  	[tilespmem:s25], [sflag:$0x1] =	stream.indirect_vreg.gather [hbm4b:s8+s4], $0x80, v4, vm0, $0xb8;
	[tilespmem:$0x14100] =	vst v63  }
0x74: {  	s25 =	simm.s32 $0xA100  }
0x75: {  	[tilespmem:s25], [sflag:$0x1] =	stream.indirect_vreg.gather [hbm4b:s9+s4], $0x80, v4, vm0, $0xb8;
	[tilespmem:$0x14100] =	vst v63  }
0x76: {  	v3 =	vperm.xlane v3, v2;
	s25 =	simm.s32 $0xA900  }
0x77: {  	[tilespmem:s25], [sflag:$0x1] =	stream.indirect_vreg.gather [hbm4b:s10+s4], $0x80, v4, vm0, $0xb8;
	[tilespmem:$0x14100] =	vst v63  }
0x78: {  	v3 =	vadd.s32 v1, v3;
	s25 =	simm.s32 $0xB100  }
0x79: {  	[tilespmem:s25], [sflag:$0x1] =	stream.indirect_vreg.gather [hbm4b:s11+s4], $0x80, v4, vm0, $0xb8;
	[tilespmem:$0x14100] =	vst v63  }
0x7a: {  	s25 =	simm.s32 $0xB900  }
0x7b: {  	[tilespmem:s25], [sflag:$0x1] =	stream.indirect_vreg.gather [hbm4b:s12+s4], $0x80, v4, vm0, $0xb8;
	[tilespmem:$0x14100] =	vst v63  }
0x7c: {  	s25 =	simm.s32 $0xC100  }
0x7d: {  	[tilespmem:s25], [sflag:$0x1] =	stream.indirect_vreg.gather [hbm4b:s1+s4], $0x80, v3, vm0, $0xb8;
	[tilespmem:$0x14100] =	vst v63  }
0x7e: {  	s25 =	simm.s32 $0xC900  }
0x7f: {  	[tilespmem:s25], [sflag:$0x1] =	stream.indirect_vreg.gather [hbm4b:s6+s4], $0x80, v3, vm0, $0xb8;
	[tilespmem:$0x14100] =	vst v63  }
0x80: {  	s25 =	simm.s32 $0xD100  }
0x81: {  	[tilespmem:s25], [sflag:$0x1] =	stream.indirect_vreg.gather [hbm4b:s7+s4], $0x80, v3, vm0, $0xb8;
	[tilespmem:$0x14100] =	vst v63  }
0x82: {  	s25 =	simm.s32 $0xD900  }
0x83: {  	[tilespmem:s25], [sflag:$0x1] =	stream.indirect_vreg.gather [hbm4b:s8+s4], $0x80, v3, vm0, $0xb8;
	[tilespmem:$0x14100] =	vst v63  }
0x84: {  	s25 =	simm.s32 $0xE100  }
0x85: {  	[tilespmem:s25], [sflag:$0x1] =	stream.indirect_vreg.gather [hbm4b:s9+s4], $0x80, v3, vm0, $0xb8;
	[tilespmem:$0x14100] =	vst v63  }
0x86: {  	s25 =	simm.s32 $0xE900  }
0x87: {  	[tilespmem:s25], [sflag:$0x1] =	stream.indirect_vreg.gather [hbm4b:s10+s4], $0x80, v3, vm0, $0xb8;
	[tilespmem:$0x14100] =	vst v63  }
0x88: {  	s25 =	simm.s32 $0xF100  }
0x89: {  	[tilespmem:s25], [sflag:$0x1] =	stream.indirect_vreg.gather [hbm4b:s11+s4], $0x80, v3, vm0, $0xb8;
	[tilespmem:$0x14100] =	vst v63  }
0x8a: {  	s25 =	simm.s32 $0xF900  }
0x8b: {  	[tilespmem:s25], [sflag:$0x1] =	stream.indirect_vreg.gather [hbm4b:s12+s4], $0x80, v3, vm0, $0xb8;
	[tilespmem:$0x14100] =	vst v63  }
0x8c: {  	_ =	swait.ge [sflag:s22], $0x4000  }
0x8d: {  	[sflag:s22] =	ssyncset.done $0x0  }
0x8e: {  	s25 =	rddreg [dreg:$0x8];
	[sflag:s22] =	ssyncadd.s32 $0xFFFFC000  }
0x8f: {  	[hbm4b:s25+s4] =	stream.linear.scatter [tilespmem:s23], [sflag:$0x3], $0x4000, $0x38;
	[tilespmem:$0x14100] =	vst v63  }
0x90: {  	_ =	swait.ge [sflag:s14], $0x4000  }
0x91: {  	[sflag:s14] =	ssyncset.done $0x0  }
0x92: {  	[sflag:s14] =	ssyncadd.s32 $0xFFFFC000  }
0x93: {  	_ =	swait.ge [sflag:s24], $0x10000  }
0x94: {  	[sflag:s24] =	ssyncset.done $0x0  }
0x95: {  	s25 =	rddreg [dreg:$0x9];
	[sflag:s24] =	ssyncadd.s32 $0xFFFF0000  }
0x96: {  	[hbm4b:s25+s4] =	stream.linear.scatter [tilespmem:s2], [sflag:$0x3], $0x10000, $0x38;
	[tilespmem:$0x14100] =	vst v63  }
0x97: {  	_ =	swait.ge [sflag:s14], $0x10000  }
0x98: {  	[sflag:s14] =	ssyncset.done $0x0  }
0x99: {  	[sflag:s14] =	ssyncadd.s32 $0xFFFF0000  }
0x9a: {  	v3 =	vld [tilespmem:$0x80];
	_ =	sdelay $0x4  }
0x9b: {  	v60 =	vshll.u32 v3, $0x2  }
0x9c: {  	v3 =	vand.u32 $0x7, v3;
	v4 =	vand.u32 $0xFFFFFFE0, v60  }
0x9d: {  	v3 =	vor.u32 v3, v4  }
0x9e: {  	v4 =	vperm.xlane v3, v0;
	_ =	sdelay $0x1  }
0x9f: {  	v4 =	vadd.s32 v1, v4;
	_ =	sdelay $0x1  }
0xa0: {  	v3 =	vperm.xlane v3, v2;
	_ =	sdelay $0x1  }
0xa1: {  	v3 =	vadd.s32 v1, v3  }
0xa2: {  	[tilespmem:s23], [sflag:$0x2] =	stream.indirect_vreg.gather [hbm4b:s0+s4], $0x80, v4, vm0, $0xb8;
	[tilespmem:$0x14100] =	vst v63  }
0xa3: {  	_ = 	snop  }
0xa4: {  	[tilespmem:s26], [sflag:$0x2] =	stream.indirect_vreg.gather [hbm4b:s5+s4], $0x80, v4, vm0, $0xb8;
	[tilespmem:$0x14100] =	vst v63  }
0xa5: {  	_ = 	snop  }
0xa6: {  	[tilespmem:s28], [sflag:$0x2] =	stream.indirect_vreg.gather [hbm4b:s0+s4], $0x80, v3, vm0, $0xb8;
	[tilespmem:$0x14100] =	vst v63  }
0xa7: {  	_ = 	snop  }
0xa8: {  	[tilespmem:s29], [sflag:$0x2] =	stream.indirect_vreg.gather [hbm4b:s5+s4], $0x80, v3, vm0, $0xb8;
	[tilespmem:$0x14100] =	vst v63  }
0xa9: {  	v3 =	vld [tilespmem:$0x90];
	_ =	sdelay $0x4  }
0xaa: {  	v61 =	vshll.u32 v3, $0x2  }
0xab: {  	v3 =	vand.u32 $0x7, v3;
	v4 =	vand.u32 $0xFFFFFFE0, v61  }
0xac: {  	v3 =	vor.u32 v3, v4  }
0xad: {  	v4 =	vperm.xlane v3, v0;
	_ =	sdelay $0x1  }
0xae: {  	v4 =	vadd.s32 v1, v4;
	_ =	sdelay $0x1  }
0xaf: {  	v3 =	vperm.xlane v3, v2;
	_ =	sdelay $0x1  }
0xb0: {  	v3 =	vadd.s32 v1, v3  }
0xb1: {  	[tilespmem:s30], [sflag:$0x2] =	stream.indirect_vreg.gather [hbm4b:s0+s4], $0x80, v4, vm0, $0xb8;
	[tilespmem:$0x14100] =	vst v63  }
0xb2: {  	_ = 	snop  }
0xb3: {  	[tilespmem:s31], [sflag:$0x2] =	stream.indirect_vreg.gather [hbm4b:s5+s4], $0x80, v4, vm0, $0xb8;
	[tilespmem:$0x14100] =	vst v63  }
0xb4: {  	s26 =	simm.s32 $0x13100  }
0xb5: {  	[tilespmem:s26], [sflag:$0x2] =	stream.indirect_vreg.gather [hbm4b:s0+s4], $0x80, v3, vm0, $0xb8;
	[tilespmem:$0x14100] =	vst v63  }
0xb6: {  	_ = 	snop  }
0xb7: {  	[tilespmem:s3], [sflag:$0x2] =	stream.indirect_vreg.gather [hbm4b:s5+s4], $0x80, v3, vm0, $0xb8;
	[tilespmem:$0x14100] =	vst v63  }
0xb8: {  	v3 =	vld [tilespmem:$0x80];
	_ =	sdelay $0x4  }
0xb9: {  	v62 =	vshll.u32 v3, $0x4  }
0xba: {  	v3 =	vand.u32 $0x7, v3;
	v4 =	vand.u32 $0xFFFFFF80, v62  }
0xbb: {  	v3 =	vor.u32 v3, v4  }
0xbc: {  	v4 =	vperm.xlane v3, v0;
	_ =	sdelay $0x1  }
0xbd: {  	v4 =	vadd.s32 v1, v4;
	_ =	sdelay $0x4  }
0xbe: {  	[tilespmem:s2], [sflag:$0x1] =	stream.indirect_vreg.gather [hbm4b:s1+s4], $0x80, v4, vm0, $0xb8;
	[tilespmem:$0x14100] =	vst v63  }
0xbf: {  	_ = 	snop  }
0xc0: {  	[tilespmem:s16], [sflag:$0x1] =	stream.indirect_vreg.gather [hbm4b:s6+s4], $0x80, v4, vm0, $0xb8;
	[tilespmem:$0x14100] =	vst v63  }
0xc1: {  	_ = 	snop  }
0xc2: {  	[tilespmem:s17], [sflag:$0x1] =	stream.indirect_vreg.gather [hbm4b:s7+s4], $0x80, v4, vm0, $0xb8;
	[tilespmem:$0x14100] =	vst v63  }
0xc3: {  	_ = 	snop  }
0xc4: {  	[tilespmem:s18], [sflag:$0x1] =	stream.indirect_vreg.gather [hbm4b:s8+s4], $0x80, v4, vm0, $0xb8;
	[tilespmem:$0x14100] =	vst v63  }
0xc5: {  	_ = 	snop  }
0xc6: {  	[tilespmem:s19], [sflag:$0x1] =	stream.indirect_vreg.gather [hbm4b:s9+s4], $0x80, v4, vm0, $0xb8;
	[tilespmem:$0x14100] =	vst v63  }
0xc7: {  	v3 =	vperm.xlane v3, v2  }
0xc8: {  	[tilespmem:s20], [sflag:$0x1] =	stream.indirect_vreg.gather [hbm4b:s10+s4], $0x80, v4, vm0, $0xb8;
	[tilespmem:$0x14100] =	vst v63  }
0xc9: {  	v3 =	vadd.s32 v1, v3  }
0xca: {  	[tilespmem:s21], [sflag:$0x1] =	stream.indirect_vreg.gather [hbm4b:s11+s4], $0x80, v4, vm0, $0xb8;
	[tilespmem:$0x14100] =	vst v63  }
0xcb: {  	_ = 	snop  }
0xcc: {  	[tilespmem:s15], [sflag:$0x1] =	stream.indirect_vreg.gather [hbm4b:s12+s4], $0x80, v4, vm0, $0xb8;
	[tilespmem:$0x14100] =	vst v63  }
0xcd: {  	s25 =	simm.s32 $0x4100  }
0xce: {  	[tilespmem:s25], [sflag:$0x1] =	stream.indirect_vreg.gather [hbm4b:s1+s4], $0x80, v3, vm0, $0xb8;
	[tilespmem:$0x14100] =	vst v63  }
0xcf: {  	s26 =	simm.s32 $0x4900  }
0xd0: {  	[tilespmem:s26], [sflag:$0x1] =	stream.indirect_vreg.gather [hbm4b:s6+s4], $0x80, v3, vm0, $0xb8;
	[tilespmem:$0x14100] =	vst v63  }
0xd1: {  	s25 =	simm.s32 $0x5100  }
0xd2: {  	[tilespmem:s25], [sflag:$0x1] =	stream.indirect_vreg.gather [hbm4b:s7+s4], $0x80, v3, vm0, $0xb8;
	[tilespmem:$0x14100] =	vst v63  }
0xd3: {  	s26 =	simm.s32 $0x5900  }
0xd4: {  	[tilespmem:s26], [sflag:$0x1] =	stream.indirect_vreg.gather [hbm4b:s8+s4], $0x80, v3, vm0, $0xb8;
	[tilespmem:$0x14100] =	vst v63  }
0xd5: {  	s25 =	simm.s32 $0x6100  }
0xd6: {  	[tilespmem:s25], [sflag:$0x1] =	stream.indirect_vreg.gather [hbm4b:s9+s4], $0x80, v3, vm0, $0xb8;
	[tilespmem:$0x14100] =	vst v63  }
0xd7: {  	s26 =	simm.s32 $0x6900  }
0xd8: {  	[tilespmem:s26], [sflag:$0x1] =	stream.indirect_vreg.gather [hbm4b:s10+s4], $0x80, v3, vm0, $0xb8;
	[tilespmem:$0x14100] =	vst v63  }
0xd9: {  	s25 =	simm.s32 $0x7100  }
0xda: {  	[tilespmem:s25], [sflag:$0x1] =	stream.indirect_vreg.gather [hbm4b:s11+s4], $0x80, v3, vm0, $0xb8;
	[tilespmem:$0x14100] =	vst v63  }
0xdb: {  	s26 =	simm.s32 $0x7900  }
0xdc: {  	[tilespmem:s26], [sflag:$0x1] =	stream.indirect_vreg.gather [hbm4b:s12+s4], $0x80, v3, vm0, $0xb8;
	[tilespmem:$0x14100] =	vst v63  }
0xdd: {  	v3 =	vld [tilespmem:$0x90];
	_ =	sdelay $0x4  }
0xde: {  	v63 =	vshll.u32 v3, $0x4  }
0xdf: {  	v3 =	vand.u32 $0x7, v3;
	v4 =	vand.u32 $0xFFFFFF80, v63  }
0xe0: {  	v3 =	vor.u32 v3, v4  }
0xe1: {  	v4 =	vperm.xlane v3, v0;
	_ =	sdelay $0x1  }
0xe2: {  	v4 =	vadd.s32 v1, v4;
	_ =	sdelay $0x3  }
0xe3: {  	s25 =	simm.s32 $0x8100  }
0xe4: {  	[tilespmem:s25], [sflag:$0x1] =	stream.indirect_vreg.gather [hbm4b:s1+s4], $0x80, v4, vm0, $0xb8;
	[tilespmem:$0x14100] =	vst v63  }
0xe5: {  	s26 =	simm.s32 $0x8900  }
0xe6: {  	[tilespmem:s26], [sflag:$0x1] =	stream.indirect_vreg.gather [hbm4b:s6+s4], $0x80, v4, vm0, $0xb8;
	[tilespmem:$0x14100] =	vst v63  }
0xe7: {  	s25 =	simm.s32 $0x9100  }
0xe8: {  	[tilespmem:s25], [sflag:$0x1] =	stream.indirect_vreg.gather [hbm4b:s7+s4], $0x80, v4, vm0, $0xb8;
	[tilespmem:$0x14100] =	vst v63  }
0xe9: {  	s26 =	simm.s32 $0x9900  }
0xea: {  	[tilespmem:s26], [sflag:$0x1] =	stream.indirect_vreg.gather [hbm4b:s8+s4], $0x80, v4, vm0, $0xb8;
	[tilespmem:$0x14100] =	vst v63  }
0xeb: {  	s25 =	simm.s32 $0xA100  }
0xec: {  	[tilespmem:s25], [sflag:$0x1] =	stream.indirect_vreg.gather [hbm4b:s9+s4], $0x80, v4, vm0, $0xb8;
	[tilespmem:$0x14100] =	vst v63  }
0xed: {  	v3 =	vperm.xlane v3, v2;
	s26 =	simm.s32 $0xA900  }
0xee: {  	[tilespmem:s26], [sflag:$0x1] =	stream.indirect_vreg.gather [hbm4b:s10+s4], $0x80, v4, vm0, $0xb8;
	[tilespmem:$0x14100] =	vst v63  }
0xef: {  	v3 =	vadd.s32 v1, v3;
	s25 =	simm.s32 $0xB100  }
0xf0: {  	[tilespmem:s25], [sflag:$0x1] =	stream.indirect_vreg.gather [hbm4b:s11+s4], $0x80, v4, vm0, $0xb8;
	[tilespmem:$0x14100] =	vst v63  }
0xf1: {  	s26 =	simm.s32 $0xB900  }
0xf2: {  	[tilespmem:s26], [sflag:$0x1] =	stream.indirect_vreg.gather [hbm4b:s12+s4], $0x80, v4, vm0, $0xb8;
	[tilespmem:$0x14100] =	vst v63  }
0xf3: {  	s25 =	simm.s32 $0xC100  }
0xf4: {  	[tilespmem:s25], [sflag:$0x1] =	stream.indirect_vreg.gather [hbm4b:s1+s4], $0x80, v3, vm0, $0xb8;
	[tilespmem:$0x14100] =	vst v63  }
0xf5: {  	s26 =	simm.s32 $0xC900  }
0xf6: {  	[tilespmem:s26], [sflag:$0x1] =	stream.indirect_vreg.gather [hbm4b:s6+s4], $0x80, v3, vm0, $0xb8;
	[tilespmem:$0x14100] =	vst v63  }
0xf7: {  	s25 =	simm.s32 $0xD100  }
0xf8: {  	[tilespmem:s25], [sflag:$0x1] =	stream.indirect_vreg.gather [hbm4b:s7+s4], $0x80, v3, vm0, $0xb8;
	[tilespmem:$0x14100] =	vst v63  }
0xf9: {  	s26 =	simm.s32 $0xD900  }
0xfa: {  	[tilespmem:s26], [sflag:$0x1] =	stream.indirect_vreg.gather [hbm4b:s8+s4], $0x80, v3, vm0, $0xb8;
	[tilespmem:$0x14100] =	vst v63  }
0xfb: {  	s25 =	simm.s32 $0xE100  }
0xfc: {  	[tilespmem:s25], [sflag:$0x1] =	stream.indirect_vreg.gather [hbm4b:s9+s4], $0x80, v3, vm0, $0xb8;
	[tilespmem:$0x14100] =	vst v63  }
0xfd: {  	s26 =	simm.s32 $0xE900  }
0xfe: {  	[tilespmem:s26], [sflag:$0x1] =	stream.indirect_vreg.gather [hbm4b:s10+s4], $0x80, v3, vm0, $0xb8;
	[tilespmem:$0x14100] =	vst v63  }
0xff: {  	s25 =	simm.s32 $0xF100  }
0x100: {  	[tilespmem:s25], [sflag:$0x1] =	stream.indirect_vreg.gather [hbm4b:s11+s4], $0x80, v3, vm0, $0xb8;
	[tilespmem:$0x14100] =	vst v63  }
0x101: {  	s26 =	simm.s32 $0xF900  }
0x102: {  	[tilespmem:s26], [sflag:$0x1] =	stream.indirect_vreg.gather [hbm4b:s12+s4], $0x80, v3, vm0, $0xb8;
	[tilespmem:$0x14100] =	vst v63  }
0x103: {  	_ =	swait.ge [sflag:s22], $0x4000  }
0x104: {  	[sflag:s22] =	ssyncset.done $0x0  }
0x105: {  	s0 =	rddreg [dreg:$0xa];
	[sflag:s22] =	ssyncadd.s32 $0xFFFFC000  }
0x106: {  	[hbm4b:s0+s4] =	stream.linear.scatter [tilespmem:s23], [sflag:$0x3], $0x4000, $0x38;
	[tilespmem:$0x14100] =	vst v63  }
0x107: {  	_ =	swait.ge [sflag:s14], $0x4000  }
0x108: {  	[sflag:s14] =	ssyncset.done $0x0  }
0x109: {  	[sflag:s14] =	ssyncadd.s32 $0xFFFFC000  }
0x10a: {  	_ =	swait.ge [sflag:s24], $0x10000  }
0x10b: {  	p0 =	sne.s32 s13, $0x1;
	[sflag:s24] =	ssyncset.done $0x0  }
.Ltmp0:
0x10c: {  	s26 =	rddreg [dreg:$0xb];
	[sflag:s24] =	ssyncadd.s32 $0xFFFF0000;
	(pc) =	sbr.rel @p0 .LBB2_1-.Ltmp0, $4  }
0x10d: {  	[hbm4b:s26+s4] =	stream.linear.scatter [tilespmem:s2], [sflag:$0x3], $0x10000, $0x38;
	[tilespmem:$0x14100] =	vst v63  }
0x10e: {  	_ =	swait.ge [sflag:s14], $0x10000  }
0x10f: {  	[sflag:s14] =	ssyncset.done $0x0  }
0x110: {  	s13 =	sadd.s32 $0xFFFFFFFF, s13;
	[sflag:s14] =	ssyncadd.s32 $0xFFFF0000  }
0x111: {  	_ =	sfence.sel $0x180000  }
0x112: {  	[bflag:$0x0] =	sbarrier.arrive $0xFFFF  }
0x113: {  	_ =	strace $0x90000047  }
0x114: {  	s0 =	stileid.u32;
	[bflag:$0x2] =	sbarrier.arrive $0xFFFF  }
0x115: {  	p0 =	sne.s32 s0, $0x0;
	s0 =	rddreg [dreg:$0x5]  }
0x116: {  	s0 =	sadd.s32 @!p0 $0x100000, s0  }
0x117: {  	[sflag:s0] =	ssyncadd.tile.s32 @!p0 $0x1;
	_ =	shalt  }
.Lfunc_end2:
_tile_overlayer_lowered:
.L_overlay_start_2:
0x118: {  	(tag) =	ssettag $0x2  }
0x119: {  	s0 =	rddreg [dreg:$0x0];
	s2 =	stileid.u32  }
0x11a: {  	s1 =	rddreg [dreg:$0x1];
	p0 =	sne.s32 s2, $0x0  }
0x11b: {  	s3 =	rddreg [dreg:$0x2];
	[bflag:$0x3] =	sbarrier.arrive $0xFFFF;
	s2 =	simm.s32 @!p0 $0x1C03  }
0x11c: {  	[timem:s3], [sflag:s2] =	dma.local @!p0 [hbm:s0], s1  }
0x11d: {  	s0 =	simm.s32 @!p0 $0x3  }
0x11e: {  	_ =	swait.ge @!p0 [sflag:s0], s1  }
0x11f: {  	s1 =	ssub.s32 @!p0 $0x0, s1;
	[sflag:s0] =	ssyncset.done @!p0 $0x0  }
0x120: {  	[sflag:s0] =	ssyncadd.s32 @!p0 s1  }
0x121: {  	[bflag:$0x3] =	sbarrier.arrive $0xFFFF  }
0x122: {  	_ =	shalt  }

</sc_bundles>
